<compile_context>
chip_gen: v7x
topology: tpu7x:2x2x1
jax: 0.10.2.dev20260603
libtpu: 0.0.44.dev20260713+nightly
codegen_flags: <defaults>
</compile_context>

<pallas_src>
import functools

import jax
import jax.numpy as jnp
from jax import lax
from jax.experimental import pallas as pl
from jax.experimental.pallas import tpu as pltpu
from jax.experimental.pallas import tpu_sc as plsc

NW = 32
LANES = 16
NBUF = 4
SPG = 128


def _emb_mean_kernel(B, L, D, idx_hbm, table_hbm, out_hbm,
                     idx_v, rows0, rows1, rows2, rows3, acc_v,
                     sem0, sem1, sem2, sem3):
    BPW = B // NW
    NBLK = BPW // SPG
    NV = D // LANES
    NS = L * NBLK
    inv = jnp.float32(1.0 / L)

    nc = plsc.get_sparse_core_info().num_cores
    wid = lax.axis_index("s") * nc + lax.axis_index("c")

    pltpu.sync_copy(idx_hbm.at[:, pl.ds(wid * BPW, BPW)], idx_v)

    def zbody(r, carry):
        for k in range(NV):
            acc_v[r, pl.ds(k * LANES, LANES)] = jnp.zeros((LANES,), jnp.float32)
        return carry

    lax.fori_loop(0, BPW, zbody, 0)

    bufs = (rows0, rows1, rows2, rows3)
    sems = (sem0, sem1, sem2, sem3)

    def start(s, b):
        l = s // NBLK
        blk = s - l * NBLK
        idx_slice = idx_v.at[l, pl.ds(blk * SPG, SPG)]
        pltpu.async_copy(table_hbm.at[idx_slice], bufs[b], sems[b])

    def wait(b):
        pltpu.make_async_copy(
            table_hbm.at[idx_v.at[0, pl.ds(0, SPG)]], bufs[b], sems[b]
        ).wait()

    def accumulate(s, b):
        blk = s - (s // NBLK) * NBLK
        base = blk * SPG
        rows = bufs[b]

        def abody(r, carry):
            for k in range(NV):
                sl = pl.ds(k * LANES, LANES)
                plsc.addupdate(acc_v.at[base + r, sl], rows[r, sl])
            return carry

        lax.fori_loop(0, SPG, abody, 0)

    for b in range(NBUF):
        start(b, b)

    def body(g, carry):
        for b in range(NBUF):
            s = NBUF * g + b
            wait(b)
            accumulate(s, b)

            @pl.when(s + NBUF < NS)
            def _():
                start(s + NBUF, b)
        return carry

    lax.fori_loop(0, NS // NBUF, body, 0)

    def sbody(r, carry):
        for k in range(NV):
            sl = pl.ds(k * LANES, LANES)
            acc_v[r, sl] = acc_v[r, sl] * inv
        return carry

    lax.fori_loop(0, BPW, sbody, 0)
    pltpu.sync_copy(acc_v, out_hbm.at[pl.ds(wid * BPW, BPW)])


@functools.partial(jax.jit, static_argnames=("B", "L", "D"))
def _emb_mean(idx_t, W, B, L, D):
    BPW = B // NW
    mesh = plsc.VectorSubcoreMesh(core_axis_name="c", subcore_axis_name="s")
    return pl.kernel(
        functools.partial(_emb_mean_kernel, B, L, D),
        out_type=jax.ShapeDtypeStruct((B, D), jnp.float32),
        mesh=mesh,
        compiler_params=pltpu.CompilerParams(use_tc_tiling_on_sc=False),
        scratch_types=[
            pltpu.VMEM((L, BPW), jnp.int32),
            pltpu.VMEM((SPG, D), jnp.float32),
            pltpu.VMEM((SPG, D), jnp.float32),
            pltpu.VMEM((SPG, D), jnp.float32),
            pltpu.VMEM((SPG, D), jnp.float32),
            pltpu.VMEM((BPW, D), jnp.float32),
            pltpu.SemaphoreType.DMA,
            pltpu.SemaphoreType.DMA,
            pltpu.SemaphoreType.DMA,
            pltpu.SemaphoreType.DMA,
        ],
    )(idx_t, W)


def kernel(word_ids, W):
    B, L = word_ids.shape
    D = W.shape[1]
    BPW = B // NW
    assert B % NW == 0 and BPW % SPG == 0 and D % LANES == 0
    idx_t = word_ids.astype(jnp.int32).T
    return _emb_mean(idx_t, W, B, L, D)

# --- scband reference (transcript-rebuilt; emitter-appended) ---
"""Pipeline reference for scband-word-embedding-38869454029701 (READ-ONLY COPY).

The authoritative reference and input builder live on the scoring server;
editing this copy changes nothing except your own understanding.
"""

import jax, jax.numpy as jnp
import numpy as np

NUM_WORD = 1000000
EMB_DIM = 64
BATCH = 16384
HIST = 50
PADDING_IDX = 0


def setup_inputs(seed: int = 0) -> dict:
    key = jax.random.key(seed)
    k1, k2 = jax.random.split(key)
    W = jax.random.normal(k1, (NUM_WORD, EMB_DIM), dtype=jnp.float32)
    # nn.Embedding with padding_idx zeroes that row
    W = W.at[PADDING_IDX].set(0.0)
    word_ids = jax.random.randint(k2, (BATCH, HIST), 0, NUM_WORD)
    return {"word_ids": word_ids, "W": W}


def reference(word_ids, W):
    # embedding lookup (gather rows) then mean over the sequence dim (-2)
    word_emb = jnp.take(W, word_ids, axis=0)  # [B, L, D]
    avg_word_emb = jnp.mean(word_emb, axis=-2)  # [B, D]
    return avg_word_emb

if __name__ == "__main__":
    import jax
    _d = setup_inputs()
    print(jax.jit(kernel)(*tuple(_d.values())))

</pallas_src>

<mosaic_0001>
#map = affine_map<(d0, d1) -> (0, 0)>
module attributes {stable_mosaic.version = 14 : i64} {
  func.func @_emb_mean_kernel(%arg0: i32, %arg1: i32, %arg2: memref<50x16384xi32, #tpu.memory_space<hbm>>, %arg3: memref<1000000x64xf32, #tpu.memory_space<hbm>>, %arg4: memref<16384x64xf32, #tpu.memory_space<hbm>>, %arg5: memref<50x512xi32, #tpu.memory_space<vmem>>, %arg6: memref<128x64xf32, #tpu.memory_space<vmem>>, %arg7: memref<128x64xf32, #tpu.memory_space<vmem>>, %arg8: memref<128x64xf32, #tpu.memory_space<vmem>>, %arg9: memref<128x64xf32, #tpu.memory_space<vmem>>, %arg10: memref<512x64xf32, #tpu.memory_space<vmem>>, %arg11: memref<!tpu.dma_semaphore, #tpu.memory_space<semaphore_mem>>, %arg12: memref<!tpu.dma_semaphore, #tpu.memory_space<semaphore_mem>>, %arg13: memref<!tpu.dma_semaphore, #tpu.memory_space<semaphore_mem>>, %arg14: memref<!tpu.dma_semaphore, #tpu.memory_space<semaphore_mem>>) attributes {dimension_semantics = [#tpu.dimension_semantics<core_parallel>, #tpu.dimension_semantics<subcore_parallel>], iteration_bounds = array<i64: 2, 16>, scalar_prefetch = 0 : i64, scratch_operands = 10 : i64, tpu.core_type = #tpu.core_type<sc_vector_subcore>, window_params = [{transform_indices = #map}, {transform_indices = #map}, {transform_indices = #map}]} {
    %mul3A = arith.constant 2 : i32
    %mul3A_0 = arith.muli %arg1, %mul3A : i32
    %add3A = arith.addi %mul3A_0, %arg0 : i32
    %mul3A_1 = arith.constant 512 : i32
    %mul3A_2 = arith.muli %add3A, %mul3A_1 : i32
    "tpu.region"() ({
      %run_scoped3A = tpu.sem_alloc : memref<!tpu.dma_semaphore, #tpu.memory_space<semaphore_mem>>
      %dma_start3A_50 = arith.constant 0 : i32
      %dma_start3A_51 = tpu.memref_slice %arg2[%dma_start3A_50, %mul3A_2] : memref<50x16384xi32, #tpu.memory_space<hbm>> -> memref<50x512xi32, #tpu.memory_space<hbm>>
      %dma_start3A_52 = arith.constant 0 : i32
      %dma_start3A_53 = tpu.memref_slice %arg2[%dma_start3A_52, %mul3A_2] : memref<50x16384xi32, #tpu.memory_space<hbm>> -> memref<50x512xi32, #tpu.memory_space<hbm>>
      tpu.enqueue_dma source(%dma_start3A_53 : memref<50x512xi32, #tpu.memory_space<hbm>>) target(%arg5 : memref<50x512xi32, #tpu.memory_space<vmem>>) target_semaphore(%run_scoped3A : memref<!tpu.dma_semaphore, #tpu.memory_space<semaphore_mem>>)
      %dma_wait3A = arith.constant 0 : i32
      %dma_wait3A_54 = tpu.memref_slice %arg2[%dma_wait3A, %mul3A_2] : memref<50x16384xi32, #tpu.memory_space<hbm>> -> memref<50x512xi32, #tpu.memory_space<hbm>>
      %dma_wait3A_55 = arith.constant 0 : i32
      %dma_wait3A_56 = tpu.memref_slice %arg2[%dma_wait3A_55, %mul3A_2] : memref<50x16384xi32, #tpu.memory_space<hbm>> -> memref<50x512xi32, #tpu.memory_space<hbm>>
      tpu.wait_dma2 semaphore(%run_scoped3A : memref<!tpu.dma_semaphore, #tpu.memory_space<semaphore_mem>>) src(%dma_wait3A_56 : memref<50x512xi32, #tpu.memory_space<hbm>>) dst(%arg5 : memref<50x512xi32, #tpu.memory_space<vmem>>)
      tpu.yield
    }) : () -> ()
    %scan3A = arith.constant 0 : i32
    %scan3A_3 = arith.constant 0 : i32
    %scan3A_4 = arith.constant 512 : i32
    %scan3A_5 = arith.addi %scan3A_3, %scan3A_4 : i32
    %scan3A_6 = arith.constant 1 : i32
    scf.for %scan3A_50 = %scan3A_3 to %scan3A_5 step %scan3A_6  : i32 {
      %broadcast_in_dim3A = arith.constant 0.000000e+00 : f32
      %broadcast_in_dim3A_51 = vector.broadcast %broadcast_in_dim3A : f32 to vector<16xf32>
      %swap3A = arith.index_cast %scan3A_50 : i32 to index
      %swap3A_52 = arith.constant 0 : index
      %swap3A_53 = tpu.vector_load %arg10[%swap3A, %swap3A_52] {strides = array<i32>} : memref<512x64xf32, #tpu.memory_space<vmem>>, vector<1x16xf32>,
      %swap3A_54 = vector.shape_cast %swap3A_53 : vector<1x16xf32> to vector<16xf32>
      %swap3A_55 = vector.shape_cast %broadcast_in_dim3A_51 : vector<16xf32> to vector<1x16xf32>
      tpu.vector_store %arg10[%swap3A, %swap3A_52], %swap3A_55 {strides = array<i32>} : memref<512x64xf32, #tpu.memory_space<vmem>>, vector<1x16xf32>,
      %broadcast_in_dim3A_56 = arith.constant 0.000000e+00 : f32
      %broadcast_in_dim3A_57 = vector.broadcast %broadcast_in_dim3A_56 : f32 to vector<16xf32>
      %swap3A_58 = arith.index_cast %scan3A_50 : i32 to index
      %swap3A_59 = arith.constant 16 : index
      %swap3A_60 = tpu.vector_load %arg10[%swap3A_58, %swap3A_59] {strides = array<i32>} : memref<512x64xf32, #tpu.memory_space<vmem>>, vector<1x16xf32>,
      %swap3A_61 = vector.shape_cast %swap3A_60 : vector<1x16xf32> to vector<16xf32>
      %swap3A_62 = vector.shape_cast %broadcast_in_dim3A_57 : vector<16xf32> to vector<1x16xf32>
      tpu.vector_store %arg10[%swap3A_58, %swap3A_59], %swap3A_62 {strides = array<i32>} : memref<512x64xf32, #tpu.memory_space<vmem>>, vector<1x16xf32>,
      %broadcast_in_dim3A_63 = arith.constant 0.000000e+00 : f32
      %broadcast_in_dim3A_64 = vector.broadcast %broadcast_in_dim3A_63 : f32 to vector<16xf32>
      %swap3A_65 = arith.index_cast %scan3A_50 : i32 to index
      %swap3A_66 = arith.constant 32 : index
      %swap3A_67 = tpu.vector_load %arg10[%swap3A_65, %swap3A_66] {strides = array<i32>} : memref<512x64xf32, #tpu.memory_space<vmem>>, vector<1x16xf32>,
      %swap3A_68 = vector.shape_cast %swap3A_67 : vector<1x16xf32> to vector<16xf32>
      %swap3A_69 = vector.shape_cast %broadcast_in_dim3A_64 : vector<16xf32> to vector<1x16xf32>
      tpu.vector_store %arg10[%swap3A_65, %swap3A_66], %swap3A_69 {strides = array<i32>} : memref<512x64xf32, #tpu.memory_space<vmem>>, vector<1x16xf32>,
      %broadcast_in_dim3A_70 = arith.constant 0.000000e+00 : f32
      %broadcast_in_dim3A_71 = vector.broadcast %broadcast_in_dim3A_70 : f32 to vector<16xf32>
      %swap3A_72 = arith.index_cast %scan3A_50 : i32 to index
      %swap3A_73 = arith.constant 48 : index
      %swap3A_74 = tpu.vector_load %arg10[%swap3A_72, %swap3A_73] {strides = array<i32>} : memref<512x64xf32, #tpu.memory_space<vmem>>, vector<1x16xf32>,
      %swap3A_75 = vector.shape_cast %swap3A_74 : vector<1x16xf32> to vector<16xf32>
      %swap3A_76 = vector.shape_cast %broadcast_in_dim3A_71 : vector<16xf32> to vector<1x16xf32>
      tpu.vector_store %arg10[%swap3A_72, %swap3A_73], %swap3A_76 {strides = array<i32>} : memref<512x64xf32, #tpu.memory_space<vmem>>, vector<1x16xf32>,
    }
    %scan3A_7 = arith.constant 512 : i32
    %dma_start3A = arith.constant 0 : i32
    %dma_start3A_8 = arith.constant 0 : i32
    %dma_start3A_9 = tpu.memref_slice %arg5[%dma_start3A, %dma_start3A_8] : memref<50x512xi32, #tpu.memory_space<vmem>> -> memref<1x128xi32, #tpu.memory_space<vmem>>
    %dma_start3A_10 = tpu.memref_squeeze %dma_start3A_9 : memref<1x128xi32, #tpu.memory_space<vmem>> -> memref<128xi32, #tpu.memory_space<vmem>>
    %dma_start3A_11 = arith.constant 0 : i32
    %dma_start3A_12 = arith.constant 0 : i32
    %dma_start3A_13 = tpu.memref_slice %arg3[%dma_start3A_11, %dma_start3A_12] : memref<1000000x64xf32, #tpu.memory_space<hbm>> -> memref<1000000x64xf32, #tpu.memory_space<hbm>>
    tpu.enqueue_indirect_dma source(%dma_start3A_13 : memref<1000000x64xf32, #tpu.memory_space<hbm>>) target(%arg6 : memref<128x64xf32, #tpu.memory_space<vmem>>) offsets(%dma_start3A_10 : memref<128xi32, #tpu.memory_space<vmem>>) semaphore(%arg11 : memref<!tpu.dma_semaphore, #tpu.memory_space<semaphore_mem>>)
    %dma_start3A_14 = arith.constant 0 : i32
    %dma_start3A_15 = arith.constant 128 : i32
    %dma_start3A_16 = tpu.memref_slice %arg5[%dma_start3A_14, %dma_start3A_15] : memref<50x512xi32, #tpu.memory_space<vmem>> -> memref<1x128xi32, #tpu.memory_space<vmem>>
    %dma_start3A_17 = tpu.memref_squeeze %dma_start3A_16 : memref<1x128xi32, #tpu.memory_space<vmem>> -> memref<128xi32, #tpu.memory_space<vmem>>
    %dma_start3A_18 = arith.constant 0 : i32
    %dma_start3A_19 = arith.constant 0 : i32
    %dma_start3A_20 = tpu.memref_slice %arg3[%dma_start3A_18, %dma_start3A_19] : memref<1000000x64xf32, #tpu.memory_space<hbm>> -> memref<1000000x64xf32, #tpu.memory_space<hbm>>
    tpu.enqueue_indirect_dma source(%dma_start3A_20 : memref<1000000x64xf32, #tpu.memory_space<hbm>>) target(%arg7 : memref<128x64xf32, #tpu.memory_space<vmem>>) offsets(%dma_start3A_17 : memref<128xi32, #tpu.memory_space<vmem>>) semaphore(%arg12 : memref<!tpu.dma_semaphore, #tpu.memory_space<semaphore_mem>>)
    %dma_start3A_21 = arith.constant 0 : i32
    %dma_start3A_22 = arith.constant 256 : i32
    %dma_start3A_23 = tpu.memref_slice %arg5[%dma_start3A_21, %dma_start3A_22] : memref<50x512xi32, #tpu.memory_space<vmem>> -> memref<1x128xi32, #tpu.memory_space<vmem>>
    %dma_start3A_24 = tpu.memref_squeeze %dma_start3A_23 : memref<1x128xi32, #tpu.memory_space<vmem>> -> memref<128xi32, #tpu.memory_space<vmem>>
    %dma_start3A_25 = arith.constant 0 : i32
    %dma_start3A_26 = arith.constant 0 : i32
    %dma_start3A_27 = tpu.memref_slice %arg3[%dma_start3A_25, %dma_start3A_26] : memref<1000000x64xf32, #tpu.memory_space<hbm>> -> memref<1000000x64xf32, #tpu.memory_space<hbm>>
    tpu.enqueue_indirect_dma source(%dma_start3A_27 : memref<1000000x64xf32, #tpu.memory_space<hbm>>) target(%arg8 : memref<128x64xf32, #tpu.memory_space<vmem>>) offsets(%dma_start3A_24 : memref<128xi32, #tpu.memory_space<vmem>>) semaphore(%arg13 : memref<!tpu.dma_semaphore, #tpu.memory_space<semaphore_mem>>)
    %dma_start3A_28 = arith.constant 0 : i32
    %dma_start3A_29 = arith.constant 384 : i32
    %dma_start3A_30 = tpu.memref_slice %arg5[%dma_start3A_28, %dma_start3A_29] : memref<50x512xi32, #tpu.memory_space<vmem>> -> memref<1x128xi32, #tpu.memory_space<vmem>>
    %dma_start3A_31 = tpu.memref_squeeze %dma_start3A_30 : memref<1x128xi32, #tpu.memory_space<vmem>> -> memref<128xi32, #tpu.memory_space<vmem>>
    %dma_start3A_32 = arith.constant 0 : i32
    %dma_start3A_33 = arith.constant 0 : i32
    %dma_start3A_34 = tpu.memref_slice %arg3[%dma_start3A_32, %dma_start3A_33] : memref<1000000x64xf32, #tpu.memory_space<hbm>> -> memref<1000000x64xf32, #tpu.memory_space<hbm>>
    tpu.enqueue_indirect_dma source(%dma_start3A_34 : memref<1000000x64xf32, #tpu.memory_space<hbm>>) target(%arg9 : memref<128x64xf32, #tpu.memory_space<vmem>>) offsets(%dma_start3A_31 : memref<128xi32, #tpu.memory_space<vmem>>) semaphore(%arg14 : memref<!tpu.dma_semaphore, #tpu.memory_space<semaphore_mem>>)
    %scan3A_35 = arith.constant 0 : i32
    %scan3A_36 = arith.constant 0 : i32
    %scan3A_37 = arith.constant 50 : i32
    %scan3A_38 = arith.addi %scan3A_36, %scan3A_37 : i32
    %scan3A_39 = arith.constant 1 : i32
    scf.for %scan3A_50 = %scan3A_36 to %scan3A_38 step %scan3A_39  : i32 {
      %mul3A_51 = arith.constant 4 : i32
      %mul3A_52 = arith.muli %mul3A_51, %scan3A_50 : i32
      %add3A_53 = arith.constant 0 : i32
      %add3A_54 = arith.addi %mul3A_52, %add3A_53 : i32
      %dma_wait3A = arith.constant 0 : i32
      %dma_wait3A_55 = arith.constant 0 : i32
      %dma_wait3A_56 = tpu.memref_slice %arg5[%dma_wait3A, %dma_wait3A_55] : memref<50x512xi32, #tpu.memory_space<vmem>> -> memref<1x128xi32, #tpu.memory_space<vmem>>
      %dma_wait3A_57 = tpu.memref_squeeze %dma_wait3A_56 : memref<1x128xi32, #tpu.memory_space<vmem>> -> memref<128xi32, #tpu.memory_space<vmem>>
      %dma_wait3A_58 = arith.constant 0 : i32
      %dma_wait3A_59 = arith.constant 0 : i32
      %dma_wait3A_60 = tpu.memref_slice %arg3[%dma_wait3A_58, %dma_wait3A_59] : memref<1000000x64xf32, #tpu.memory_space<hbm>> -> memref<1000000x64xf32, #tpu.memory_space<hbm>>
      tpu.wait_indirect_dma semaphore(%arg11 : memref<!tpu.dma_semaphore, #tpu.memory_space<semaphore_mem>>) src(%dma_wait3A_60 : memref<1000000x64xf32, #tpu.memory_space<hbm>>) dst(%arg6 : memref<128x64xf32, #tpu.memory_space<vmem>>)
      %jit3A = arith.constant 4 : i32
      %div3A = arith.divsi %add3A_54, %jit3A : i32
      %sign3A = arith.constant 0 : i32
      %sign3A_61 = arith.cmpi sgt, %add3A_54, %sign3A : i32
      %sign3A_62 = arith.extui %sign3A_61 : i1 to i32
      %sign3A_63 = arith.constant 0 : i32
      %sign3A_64 = arith.cmpi slt, %add3A_54, %sign3A_63 : i32
      %sign3A_65 = arith.extui %sign3A_64 : i1 to i32
      %sign3A_66 = arith.subi %sign3A_62, %sign3A_65 : i32
      %sign3A_67 = arith.constant 0 : i32
      %sign3A_68 = arith.cmpi sgt, %jit3A, %sign3A_67 : i32
      %sign3A_69 = arith.extui %sign3A_68 : i1 to i32
      %sign3A_70 = arith.constant 0 : i32
      %sign3A_71 = arith.cmpi slt, %jit3A, %sign3A_70 : i32
      %sign3A_72 = arith.extui %sign3A_71 : i1 to i32
      %sign3A_73 = arith.subi %sign3A_69, %sign3A_72 : i32
      %ne3A = arith.cmpi ne, %sign3A_66, %sign3A_73 : i32
      %rem3A = arith.remsi %add3A_54, %jit3A : i32
      %ne3A_74 = arith.constant 0 : i32
      %ne3A_75 = arith.cmpi ne, %rem3A, %ne3A_74 : i32
      %and3A = arith.andi %ne3A, %ne3A_75 : i1
      %sub3A = arith.constant 1 : i32
      %sub3A_76 = arith.subi %div3A, %sub3A : i32
      %select_n3A = arith.select %and3A, %sub3A_76, %div3A : i32
      %mul3A_77 = arith.constant 4 : i32
      %mul3A_78 = arith.muli %select_n3A, %mul3A_77 : i32
      %sub3A_79 = arith.subi %add3A_54, %mul3A_78 : i32
      %mul3A_80 = arith.constant 128 : i32
      %mul3A_81 = arith.muli %sub3A_79, %mul3A_80 : i32
      %scan3A_82 = arith.constant 0 : i32
      %scan3A_83 = arith.constant 0 : i32
      %scan3A_84 = arith.constant 128 : i32
      %scan3A_85 = arith.addi %scan3A_83, %scan3A_84 : i32
      %scan3A_86 = arith.constant 1 : i32
      scf.for %scan3A_251 = %scan3A_83 to %scan3A_85 step %scan3A_86  : i32 {
        %add3A_252 = arith.addi %mul3A_81, %scan3A_251 : i32
        %get3A = arith.index_cast %scan3A_251 : i32 to index
        %get3A_253 = arith.constant 0 : index
        %get3A_254 = tpu.vector_load %arg6[%get3A, %get3A_253] {strides = array<i32>} : memref<128x64xf32, #tpu.memory_space<vmem>>, vector<1x16xf32>,
        %get3A_255 = vector.shape_cast %get3A_254 : vector<1x16xf32> to vector<16xf32>
        %swap3A = arith.index_cast %add3A_252 : i32 to index
        %swap3A_256 = arith.constant 0 : index
        %swap3A_257 = tpu.vector_load %arg10[%swap3A, %swap3A_256] {strides = array<i32>} : memref<512x64xf32, #tpu.memory_space<vmem>>, vector<1x16xf32>,
        %swap3A_258 = vector.shape_cast %swap3A_257 : vector<1x16xf32> to vector<16xf32>
        %swap3A_259 = vector.shape_cast %get3A_255 : vector<16xf32> to vector<1x16xf32>
        tpu.vector_store %arg10[%swap3A, %swap3A_256], %swap3A_259 {add = true, strides = array<i32>} : memref<512x64xf32, #tpu.memory_space<vmem>>, vector<1x16xf32>,
        %add3A_260 = arith.addi %mul3A_81, %scan3A_251 : i32
        %get3A_261 = arith.index_cast %scan3A_251 : i32 to index
        %get3A_262 = arith.constant 16 : index
        %get3A_263 = tpu.vector_load %arg6[%get3A_261, %get3A_262] {strides = array<i32>} : memref<128x64xf32, #tpu.memory_space<vmem>>, vector<1x16xf32>,
        %get3A_264 = vector.shape_cast %get3A_263 : vector<1x16xf32> to vector<16xf32>
        %swap3A_265 = arith.index_cast %add3A_260 : i32 to index
        %swap3A_266 = arith.constant 16 : index
        %swap3A_267 = tpu.vector_load %arg10[%swap3A_265, %swap3A_266] {strides = array<i32>} : memref<512x64xf32, #tpu.memory_space<vmem>>, vector<1x16xf32>,
        %swap3A_268 = vector.shape_cast %swap3A_267 : vector<1x16xf32> to vector<16xf32>
        %swap3A_269 = vector.shape_cast %get3A_264 : vector<16xf32> to vector<1x16xf32>
        tpu.vector_store %arg10[%swap3A_265, %swap3A_266], %swap3A_269 {add = true, strides = array<i32>} : memref<512x64xf32, #tpu.memory_space<vmem>>, vector<1x16xf32>,
        %add3A_270 = arith.addi %mul3A_81, %scan3A_251 : i32
        %get3A_271 = arith.index_cast %scan3A_251 : i32 to index
        %get3A_272 = arith.constant 32 : index
        %get3A_273 = tpu.vector_load %arg6[%get3A_271, %get3A_272] {strides = array<i32>} : memref<128x64xf32, #tpu.memory_space<vmem>>, vector<1x16xf32>,
        %get3A_274 = vector.shape_cast %get3A_273 : vector<1x16xf32> to vector<16xf32>
        %swap3A_275 = arith.index_cast %add3A_270 : i32 to index
        %swap3A_276 = arith.constant 32 : index
        %swap3A_277 = tpu.vector_load %arg10[%swap3A_275, %swap3A_276] {strides = array<i32>} : memref<512x64xf32, #tpu.memory_space<vmem>>, vector<1x16xf32>,
        %swap3A_278 = vector.shape_cast %swap3A_277 : vector<1x16xf32> to vector<16xf32>
        %swap3A_279 = vector.shape_cast %get3A_274 : vector<16xf32> to vector<1x16xf32>
        tpu.vector_store %arg10[%swap3A_275, %swap3A_276], %swap3A_279 {add = true, strides = array<i32>} : memref<512x64xf32, #tpu.memory_space<vmem>>, vector<1x16xf32>,
        %add3A_280 = arith.addi %mul3A_81, %scan3A_251 : i32
        %get3A_281 = arith.index_cast %scan3A_251 : i32 to index
        %get3A_282 = arith.constant 48 : index
        %get3A_283 = tpu.vector_load %arg6[%get3A_281, %get3A_282] {strides = array<i32>} : memref<128x64xf32, #tpu.memory_space<vmem>>, vector<1x16xf32>,
        %get3A_284 = vector.shape_cast %get3A_283 : vector<1x16xf32> to vector<16xf32>
        %swap3A_285 = arith.index_cast %add3A_280 : i32 to index
        %swap3A_286 = arith.constant 48 : index
        %swap3A_287 = tpu.vector_load %arg10[%swap3A_285, %swap3A_286] {strides = array<i32>} : memref<512x64xf32, #tpu.memory_space<vmem>>, vector<1x16xf32>,
        %swap3A_288 = vector.shape_cast %swap3A_287 : vector<1x16xf32> to vector<16xf32>
        %swap3A_289 = vector.shape_cast %get3A_284 : vector<16xf32> to vector<1x16xf32>
        tpu.vector_store %arg10[%swap3A_285, %swap3A_286], %swap3A_289 {add = true, strides = array<i32>} : memref<512x64xf32, #tpu.memory_space<vmem>>, vector<1x16xf32>,
      }
      %scan3A_87 = arith.constant 128 : i32
      %add3A_88 = arith.constant 4 : i32
      %add3A_89 = arith.addi %add3A_54, %add3A_88 : i32
      %lt3A = arith.constant 200 : i32
      %lt3A_90 = arith.cmpi slt, %add3A_89, %lt3A : i32
      %convert_element_type3A = arith.extui %lt3A_90 : i1 to i32
      %cond3A = arith.constant 0 : i32
      %cond3A_91 = arith.cmpi ne, %convert_element_type3A, %cond3A : i32
      scf.if %cond3A_91 {
        %add3A_251 = arith.constant 4 : i32
        %add3A_252 = arith.addi %add3A_54, %add3A_251 : i32
        %jit3A_253 = arith.constant 4 : i32
        %div3A_254 = arith.divsi %add3A_252, %jit3A_253 : i32
        %sign3A_255 = arith.constant 0 : i32
        %sign3A_256 = arith.cmpi sgt, %add3A_252, %sign3A_255 : i32
        %sign3A_257 = arith.extui %sign3A_256 : i1 to i32
        %sign3A_258 = arith.constant 0 : i32
        %sign3A_259 = arith.cmpi slt, %add3A_252, %sign3A_258 : i32
        %sign3A_260 = arith.extui %sign3A_259 : i1 to i32
        %sign3A_261 = arith.subi %sign3A_257, %sign3A_260 : i32
        %sign3A_262 = arith.constant 0 : i32
        %sign3A_263 = arith.cmpi sgt, %jit3A_253, %sign3A_262 : i32
        %sign3A_264 = arith.extui %sign3A_263 : i1 to i32
        %sign3A_265 = arith.constant 0 : i32
        %sign3A_266 = arith.cmpi slt, %jit3A_253, %sign3A_265 : i32
        %sign3A_267 = arith.extui %sign3A_266 : i1 to i32
        %sign3A_268 = arith.subi %sign3A_264, %sign3A_267 : i32
        %ne3A_269 = arith.cmpi ne, %sign3A_261, %sign3A_268 : i32
        %rem3A_270 = arith.remsi %add3A_252, %jit3A_253 : i32
        %ne3A_271 = arith.constant 0 : i32
        %ne3A_272 = arith.cmpi ne, %rem3A_270, %ne3A_271 : i32
        %and3A_273 = arith.andi %ne3A_269, %ne3A_272 : i1
        %sub3A_274 = arith.constant 1 : i32
        %sub3A_275 = arith.subi %div3A_254, %sub3A_274 : i32
        %select_n3A_276 = arith.select %and3A_273, %sub3A_275, %div3A_254 : i32
        %mul3A_277 = arith.constant 4 : i32
        %mul3A_278 = arith.muli %select_n3A_276, %mul3A_277 : i32
        %sub3A_279 = arith.subi %add3A_252, %mul3A_278 : i32
        %mul3A_280 = arith.constant 128 : i32
        %mul3A_281 = arith.muli %sub3A_279, %mul3A_280 : i32
        %dma_start3A_282 = tpu.memref_slice %arg5[%select_n3A_276, %mul3A_281] : memref<50x512xi32, #tpu.memory_space<vmem>> -> memref<1x128xi32, #tpu.memory_space<vmem>>
        %dma_start3A_283 = tpu.memref_squeeze %dma_start3A_282 : memref<1x128xi32, #tpu.memory_space<vmem>> -> memref<128xi32, #tpu.memory_space<vmem>>
        %dma_start3A_284 = arith.constant 0 : i32
        %dma_start3A_285 = arith.constant 0 : i32
        %dma_start3A_286 = tpu.memref_slice %arg3[%dma_start3A_284, %dma_start3A_285] : memref<1000000x64xf32, #tpu.memory_space<hbm>> -> memref<1000000x64xf32, #tpu.memory_space<hbm>>
        tpu.enqueue_indirect_dma source(%dma_start3A_286 : memref<1000000x64xf32, #tpu.memory_space<hbm>>) target(%arg6 : memref<128x64xf32, #tpu.memory_space<vmem>>) offsets(%dma_start3A_283 : memref<128xi32, #tpu.memory_space<vmem>>) semaphore(%arg11 : memref<!tpu.dma_semaphore, #tpu.memory_space<semaphore_mem>>)
      } else {
      }
      %mul3A_92 = arith.constant 4 : i32
      %mul3A_93 = arith.muli %mul3A_92, %scan3A_50 : i32
      %add3A_94 = arith.constant 1 : i32
      %add3A_95 = arith.addi %mul3A_93, %add3A_94 : i32
      %dma_wait3A_96 = arith.constant 0 : i32
      %dma_wait3A_97 = arith.constant 0 : i32
      %dma_wait3A_98 = tpu.memref_slice %arg5[%dma_wait3A_96, %dma_wait3A_97] : memref<50x512xi32, #tpu.memory_space<vmem>> -> memref<1x128xi32, #tpu.memory_space<vmem>>
      %dma_wait3A_99 = tpu.memref_squeeze %dma_wait3A_98 : memref<1x128xi32, #tpu.memory_space<vmem>> -> memref<128xi32, #tpu.memory_space<vmem>>
      %dma_wait3A_100 = arith.constant 0 : i32
      %dma_wait3A_101 = arith.constant 0 : i32
      %dma_wait3A_102 = tpu.memref_slice %arg3[%dma_wait3A_100, %dma_wait3A_101] : memref<1000000x64xf32, #tpu.memory_space<hbm>> -> memref<1000000x64xf32, #tpu.memory_space<hbm>>
      tpu.wait_indirect_dma semaphore(%arg12 : memref<!tpu.dma_semaphore, #tpu.memory_space<semaphore_mem>>) src(%dma_wait3A_102 : memref<1000000x64xf32, #tpu.memory_space<hbm>>) dst(%arg7 : memref<128x64xf32, #tpu.memory_space<vmem>>)
      %jit3A_103 = arith.constant 4 : i32
      %div3A_104 = arith.divsi %add3A_95, %jit3A_103 : i32
      %sign3A_105 = arith.constant 0 : i32
      %sign3A_106 = arith.cmpi sgt, %add3A_95, %sign3A_105 : i32
      %sign3A_107 = arith.extui %sign3A_106 : i1 to i32
      %sign3A_108 = arith.constant 0 : i32
      %sign3A_109 = arith.cmpi slt, %add3A_95, %sign3A_108 : i32
      %sign3A_110 = arith.extui %sign3A_109 : i1 to i32
      %sign3A_111 = arith.subi %sign3A_107, %sign3A_110 : i32
      %sign3A_112 = arith.constant 0 : i32
      %sign3A_113 = arith.cmpi sgt, %jit3A_103, %sign3A_112 : i32
      %sign3A_114 = arith.extui %sign3A_113 : i1 to i32
      %sign3A_115 = arith.constant 0 : i32
      %sign3A_116 = arith.cmpi slt, %jit3A_103, %sign3A_115 : i32
      %sign3A_117 = arith.extui %sign3A_116 : i1 to i32
      %sign3A_118 = arith.subi %sign3A_114, %sign3A_117 : i32
      %ne3A_119 = arith.cmpi ne, %sign3A_111, %sign3A_118 : i32
      %rem3A_120 = arith.remsi %add3A_95, %jit3A_103 : i32
      %ne3A_121 = arith.constant 0 : i32
      %ne3A_122 = arith.cmpi ne, %rem3A_120, %ne3A_121 : i32
      %and3A_123 = arith.andi %ne3A_119, %ne3A_122 : i1
      %sub3A_124 = arith.constant 1 : i32
      %sub3A_125 = arith.subi %div3A_104, %sub3A_124 : i32
      %select_n3A_126 = arith.select %and3A_123, %sub3A_125, %div3A_104 : i32
      %mul3A_127 = arith.constant 4 : i32
      %mul3A_128 = arith.muli %select_n3A_126, %mul3A_127 : i32
      %sub3A_129 = arith.subi %add3A_95, %mul3A_128 : i32
      %mul3A_130 = arith.constant 128 : i32
      %mul3A_131 = arith.muli %sub3A_129, %mul3A_130 : i32
      %scan3A_132 = arith.constant 0 : i32
      %scan3A_133 = arith.constant 0 : i32
      %scan3A_134 = arith.constant 128 : i32
      %scan3A_135 = arith.addi %scan3A_133, %scan3A_134 : i32
      %scan3A_136 = arith.constant 1 : i32
      scf.for %scan3A_251 = %scan3A_133 to %scan3A_135 step %scan3A_136  : i32 {
        %add3A_252 = arith.addi %mul3A_131, %scan3A_251 : i32
        %get3A = arith.index_cast %scan3A_251 : i32 to index
        %get3A_253 = arith.constant 0 : index
        %get3A_254 = tpu.vector_load %arg7[%get3A, %get3A_253] {strides = array<i32>} : memref<128x64xf32, #tpu.memory_space<vmem>>, vector<1x16xf32>,
        %get3A_255 = vector.shape_cast %get3A_254 : vector<1x16xf32> to vector<16xf32>
        %swap3A = arith.index_cast %add3A_252 : i32 to index
        %swap3A_256 = arith.constant 0 : index
        %swap3A_257 = tpu.vector_load %arg10[%swap3A, %swap3A_256] {strides = array<i32>} : memref<512x64xf32, #tpu.memory_space<vmem>>, vector<1x16xf32>,
        %swap3A_258 = vector.shape_cast %swap3A_257 : vector<1x16xf32> to vector<16xf32>
        %swap3A_259 = vector.shape_cast %get3A_255 : vector<16xf32> to vector<1x16xf32>
        tpu.vector_store %arg10[%swap3A, %swap3A_256], %swap3A_259 {add = true, strides = array<i32>} : memref<512x64xf32, #tpu.memory_space<vmem>>, vector<1x16xf32>,
        %add3A_260 = arith.addi %mul3A_131, %scan3A_251 : i32
        %get3A_261 = arith.index_cast %scan3A_251 : i32 to index
        %get3A_262 = arith.constant 16 : index
        %get3A_263 = tpu.vector_load %arg7[%get3A_261, %get3A_262] {strides = array<i32>} : memref<128x64xf32, #tpu.memory_space<vmem>>, vector<1x16xf32>,
        %get3A_264 = vector.shape_cast %get3A_263 : vector<1x16xf32> to vector<16xf32>
        %swap3A_265 = arith.index_cast %add3A_260 : i32 to index
        %swap3A_266 = arith.constant 16 : index
        %swap3A_267 = tpu.vector_load %arg10[%swap3A_265, %swap3A_266] {strides = array<i32>} : memref<512x64xf32, #tpu.memory_space<vmem>>, vector<1x16xf32>,
        %swap3A_268 = vector.shape_cast %swap3A_267 : vector<1x16xf32> to vector<16xf32>
        %swap3A_269 = vector.shape_cast %get3A_264 : vector<16xf32> to vector<1x16xf32>
        tpu.vector_store %arg10[%swap3A_265, %swap3A_266], %swap3A_269 {add = true, strides = array<i32>} : memref<512x64xf32, #tpu.memory_space<vmem>>, vector<1x16xf32>,
        %add3A_270 = arith.addi %mul3A_131, %scan3A_251 : i32
        %get3A_271 = arith.index_cast %scan3A_251 : i32 to index
        %get3A_272 = arith.constant 32 : index
        %get3A_273 = tpu.vector_load %arg7[%get3A_271, %get3A_272] {strides = array<i32>} : memref<128x64xf32, #tpu.memory_space<vmem>>, vector<1x16xf32>,
        %get3A_274 = vector.shape_cast %get3A_273 : vector<1x16xf32> to vector<16xf32>
        %swap3A_275 = arith.index_cast %add3A_270 : i32 to index
        %swap3A_276 = arith.constant 32 : index
        %swap3A_277 = tpu.vector_load %arg10[%swap3A_275, %swap3A_276] {strides = array<i32>} : memref<512x64xf32, #tpu.memory_space<vmem>>, vector<1x16xf32>,
        %swap3A_278 = vector.shape_cast %swap3A_277 : vector<1x16xf32> to vector<16xf32>
        %swap3A_279 = vector.shape_cast %get3A_274 : vector<16xf32> to vector<1x16xf32>
        tpu.vector_store %arg10[%swap3A_275, %swap3A_276], %swap3A_279 {add = true, strides = array<i32>} : memref<512x64xf32, #tpu.memory_space<vmem>>, vector<1x16xf32>,
        %add3A_280 = arith.addi %mul3A_131, %scan3A_251 : i32
        %get3A_281 = arith.index_cast %scan3A_251 : i32 to index
        %get3A_282 = arith.constant 48 : index
        %get3A_283 = tpu.vector_load %arg7[%get3A_281, %get3A_282] {strides = array<i32>} : memref<128x64xf32, #tpu.memory_space<vmem>>, vector<1x16xf32>,
        %get3A_284 = vector.shape_cast %get3A_283 : vector<1x16xf32> to vector<16xf32>
        %swap3A_285 = arith.index_cast %add3A_280 : i32 to index
        %swap3A_286 = arith.constant 48 : index
        %swap3A_287 = tpu.vector_load %arg10[%swap3A_285, %swap3A_286] {strides = array<i32>} : memref<512x64xf32, #tpu.memory_space<vmem>>, vector<1x16xf32>,
        %swap3A_288 = vector.shape_cast %swap3A_287 : vector<1x16xf32> to vector<16xf32>
        %swap3A_289 = vector.shape_cast %get3A_284 : vector<16xf32> to vector<1x16xf32>
        tpu.vector_store %arg10[%swap3A_285, %swap3A_286], %swap3A_289 {add = true, strides = array<i32>} : memref<512x64xf32, #tpu.memory_space<vmem>>, vector<1x16xf32>,
      }
      %scan3A_137 = arith.constant 128 : i32
      %add3A_138 = arith.constant 4 : i32
      %add3A_139 = arith.addi %add3A_95, %add3A_138 : i32
      %lt3A_140 = arith.constant 200 : i32
      %lt3A_141 = arith.cmpi slt, %add3A_139, %lt3A_140 : i32
      %convert_element_type3A_142 = arith.extui %lt3A_141 : i1 to i32
      %cond3A_143 = arith.constant 0 : i32
      %cond3A_144 = arith.cmpi ne, %convert_element_type3A_142, %cond3A_143 : i32
      scf.if %cond3A_144 {
        %add3A_251 = arith.constant 4 : i32
        %add3A_252 = arith.addi %add3A_95, %add3A_251 : i32
        %jit3A_253 = arith.constant 4 : i32
        %div3A_254 = arith.divsi %add3A_252, %jit3A_253 : i32
        %sign3A_255 = arith.constant 0 : i32
        %sign3A_256 = arith.cmpi sgt, %add3A_252, %sign3A_255 : i32
        %sign3A_257 = arith.extui %sign3A_256 : i1 to i32
        %sign3A_258 = arith.constant 0 : i32
        %sign3A_259 = arith.cmpi slt, %add3A_252, %sign3A_258 : i32
        %sign3A_260 = arith.extui %sign3A_259 : i1 to i32
        %sign3A_261 = arith.subi %sign3A_257, %sign3A_260 : i32
        %sign3A_262 = arith.constant 0 : i32
        %sign3A_263 = arith.cmpi sgt, %jit3A_253, %sign3A_262 : i32
        %sign3A_264 = arith.extui %sign3A_263 : i1 to i32
        %sign3A_265 = arith.constant 0 : i32
        %sign3A_266 = arith.cmpi slt, %jit3A_253, %sign3A_265 : i32
        %sign3A_267 = arith.extui %sign3A_266 : i1 to i32
        %sign3A_268 = arith.subi %sign3A_264, %sign3A_267 : i32
        %ne3A_269 = arith.cmpi ne, %sign3A_261, %sign3A_268 : i32
        %rem3A_270 = arith.remsi %add3A_252, %jit3A_253 : i32
        %ne3A_271 = arith.constant 0 : i32
        %ne3A_272 = arith.cmpi ne, %rem3A_270, %ne3A_271 : i32
        %and3A_273 = arith.andi %ne3A_269, %ne3A_272 : i1
        %sub3A_274 = arith.constant 1 : i32
        %sub3A_275 = arith.subi %div3A_254, %sub3A_274 : i32
        %select_n3A_276 = arith.select %and3A_273, %sub3A_275, %div3A_254 : i32
        %mul3A_277 = arith.constant 4 : i32
        %mul3A_278 = arith.muli %select_n3A_276, %mul3A_277 : i32
        %sub3A_279 = arith.subi %add3A_252, %mul3A_278 : i32
        %mul3A_280 = arith.constant 128 : i32
        %mul3A_281 = arith.muli %sub3A_279, %mul3A_280 : i32
        %dma_start3A_282 = tpu.memref_slice %arg5[%select_n3A_276, %mul3A_281] : memref<50x512xi32, #tpu.memory_space<vmem>> -> memref<1x128xi32, #tpu.memory_space<vmem>>
        %dma_start3A_283 = tpu.memref_squeeze %dma_start3A_282 : memref<1x128xi32, #tpu.memory_space<vmem>> -> memref<128xi32, #tpu.memory_space<vmem>>
        %dma_start3A_284 = arith.constant 0 : i32
        %dma_start3A_285 = arith.constant 0 : i32
        %dma_start3A_286 = tpu.memref_slice %arg3[%dma_start3A_284, %dma_start3A_285] : memref<1000000x64xf32, #tpu.memory_space<hbm>> -> memref<1000000x64xf32, #tpu.memory_space<hbm>>
        tpu.enqueue_indirect_dma source(%dma_start3A_286 : memref<1000000x64xf32, #tpu.memory_space<hbm>>) target(%arg7 : memref<128x64xf32, #tpu.memory_space<vmem>>) offsets(%dma_start3A_283 : memref<128xi32, #tpu.memory_space<vmem>>) semaphore(%arg12 : memref<!tpu.dma_semaphore, #tpu.memory_space<semaphore_mem>>)
      } else {
      }
      %mul3A_145 = arith.constant 4 : i32
      %mul3A_146 = arith.muli %mul3A_145, %scan3A_50 : i32
      %add3A_147 = arith.constant 2 : i32
      %add3A_148 = arith.addi %mul3A_146, %add3A_147 : i32
      %dma_wait3A_149 = arith.constant 0 : i32
      %dma_wait3A_150 = arith.constant 0 : i32
      %dma_wait3A_151 = tpu.memref_slice %arg5[%dma_wait3A_149, %dma_wait3A_150] : memref<50x512xi32, #tpu.memory_space<vmem>> -> memref<1x128xi32, #tpu.memory_space<vmem>>
      %dma_wait3A_152 = tpu.memref_squeeze %dma_wait3A_151 : memref<1x128xi32, #tpu.memory_space<vmem>> -> memref<128xi32, #tpu.memory_space<vmem>>
      %dma_wait3A_153 = arith.constant 0 : i32
      %dma_wait3A_154 = arith.constant 0 : i32
      %dma_wait3A_155 = tpu.memref_slice %arg3[%dma_wait3A_153, %dma_wait3A_154] : memref<1000000x64xf32, #tpu.memory_space<hbm>> -> memref<1000000x64xf32, #tpu.memory_space<hbm>>
      tpu.wait_indirect_dma semaphore(%arg13 : memref<!tpu.dma_semaphore, #tpu.memory_space<semaphore_mem>>) src(%dma_wait3A_155 : memref<1000000x64xf32, #tpu.memory_space<hbm>>) dst(%arg8 : memref<128x64xf32, #tpu.memory_space<vmem>>)
      %jit3A_156 = arith.constant 4 : i32
      %div3A_157 = arith.divsi %add3A_148, %jit3A_156 : i32
      %sign3A_158 = arith.constant 0 : i32
      %sign3A_159 = arith.cmpi sgt, %add3A_148, %sign3A_158 : i32
      %sign3A_160 = arith.extui %sign3A_159 : i1 to i32
      %sign3A_161 = arith.constant 0 : i32
      %sign3A_162 = arith.cmpi slt, %add3A_148, %sign3A_161 : i32
      %sign3A_163 = arith.extui %sign3A_162 : i1 to i32
      %sign3A_164 = arith.subi %sign3A_160, %sign3A_163 : i32
      %sign3A_165 = arith.constant 0 : i32
      %sign3A_166 = arith.cmpi sgt, %jit3A_156, %sign3A_165 : i32
      %sign3A_167 = arith.extui %sign3A_166 : i1 to i32
      %sign3A_168 = arith.constant 0 : i32
      %sign3A_169 = arith.cmpi slt, %jit3A_156, %sign3A_168 : i32
      %sign3A_170 = arith.extui %sign3A_169 : i1 to i32
      %sign3A_171 = arith.subi %sign3A_167, %sign3A_170 : i32
      %ne3A_172 = arith.cmpi ne, %sign3A_164, %sign3A_171 : i32
      %rem3A_173 = arith.remsi %add3A_148, %jit3A_156 : i32
      %ne3A_174 = arith.constant 0 : i32
      %ne3A_175 = arith.cmpi ne, %rem3A_173, %ne3A_174 : i32
      %and3A_176 = arith.andi %ne3A_172, %ne3A_175 : i1
      %sub3A_177 = arith.constant 1 : i32
      %sub3A_178 = arith.subi %div3A_157, %sub3A_177 : i32
      %select_n3A_179 = arith.select %and3A_176, %sub3A_178, %div3A_157 : i32
      %mul3A_180 = arith.constant 4 : i32
      %mul3A_181 = arith.muli %select_n3A_179, %mul3A_180 : i32
      %sub3A_182 = arith.subi %add3A_148, %mul3A_181 : i32
      %mul3A_183 = arith.constant 128 : i32
      %mul3A_184 = arith.muli %sub3A_182, %mul3A_183 : i32
      %scan3A_185 = arith.constant 0 : i32
      %scan3A_186 = arith.constant 0 : i32
      %scan3A_187 = arith.constant 128 : i32
      %scan3A_188 = arith.addi %scan3A_186, %scan3A_187 : i32
      %scan3A_189 = arith.constant 1 : i32
      scf.for %scan3A_251 = %scan3A_186 to %scan3A_188 step %scan3A_189  : i32 {
        %add3A_252 = arith.addi %mul3A_184, %scan3A_251 : i32
        %get3A = arith.index_cast %scan3A_251 : i32 to index
        %get3A_253 = arith.constant 0 : index
        %get3A_254 = tpu.vector_load %arg8[%get3A, %get3A_253] {strides = array<i32>} : memref<128x64xf32, #tpu.memory_space<vmem>>, vector<1x16xf32>,
        %get3A_255 = vector.shape_cast %get3A_254 : vector<1x16xf32> to vector<16xf32>
        %swap3A = arith.index_cast %add3A_252 : i32 to index
        %swap3A_256 = arith.constant 0 : index
        %swap3A_257 = tpu.vector_load %arg10[%swap3A, %swap3A_256] {strides = array<i32>} : memref<512x64xf32, #tpu.memory_space<vmem>>, vector<1x16xf32>,
        %swap3A_258 = vector.shape_cast %swap3A_257 : vector<1x16xf32> to vector<16xf32>
        %swap3A_259 = vector.shape_cast %get3A_255 : vector<16xf32> to vector<1x16xf32>
        tpu.vector_store %arg10[%swap3A, %swap3A_256], %swap3A_259 {add = true, strides = array<i32>} : memref<512x64xf32, #tpu.memory_space<vmem>>, vector<1x16xf32>,
        %add3A_260 = arith.addi %mul3A_184, %scan3A_251 : i32
        %get3A_261 = arith.index_cast %scan3A_251 : i32 to index
        %get3A_262 = arith.constant 16 : index
        %get3A_263 = tpu.vector_load %arg8[%get3A_261, %get3A_262] {strides = array<i32>} : memref<128x64xf32, #tpu.memory_space<vmem>>, vector<1x16xf32>,
        %get3A_264 = vector.shape_cast %get3A_263 : vector<1x16xf32> to vector<16xf32>
        %swap3A_265 = arith.index_cast %add3A_260 : i32 to index
        %swap3A_266 = arith.constant 16 : index
        %swap3A_267 = tpu.vector_load %arg10[%swap3A_265, %swap3A_266] {strides = array<i32>} : memref<512x64xf32, #tpu.memory_space<vmem>>, vector<1x16xf32>,
        %swap3A_268 = vector.shape_cast %swap3A_267 : vector<1x16xf32> to vector<16xf32>
        %swap3A_269 = vector.shape_cast %get3A_264 : vector<16xf32> to vector<1x16xf32>
        tpu.vector_store %arg10[%swap3A_265, %swap3A_266], %swap3A_269 {add = true, strides = array<i32>} : memref<512x64xf32, #tpu.memory_space<vmem>>, vector<1x16xf32>,
        %add3A_270 = arith.addi %mul3A_184, %scan3A_251 : i32
        %get3A_271 = arith.index_cast %scan3A_251 : i32 to index
        %get3A_272 = arith.constant 32 : index
        %get3A_273 = tpu.vector_load %arg8[%get3A_271, %get3A_272] {strides = array<i32>} : memref<128x64xf32, #tpu.memory_space<vmem>>, vector<1x16xf32>,
        %get3A_274 = vector.shape_cast %get3A_273 : vector<1x16xf32> to vector<16xf32>
        %swap3A_275 = arith.index_cast %add3A_270 : i32 to index
        %swap3A_276 = arith.constant 32 : index
        %swap3A_277 = tpu.vector_load %arg10[%swap3A_275, %swap3A_276] {strides = array<i32>} : memref<512x64xf32, #tpu.memory_space<vmem>>, vector<1x16xf32>,
        %swap3A_278 = vector.shape_cast %swap3A_277 : vector<1x16xf32> to vector<16xf32>
        %swap3A_279 = vector.shape_cast %get3A_274 : vector<16xf32> to vector<1x16xf32>
        tpu.vector_store %arg10[%swap3A_275, %swap3A_276], %swap3A_279 {add = true, strides = array<i32>} : memref<512x64xf32, #tpu.memory_space<vmem>>, vector<1x16xf32>,
        %add3A_280 = arith.addi %mul3A_184, %scan3A_251 : i32
        %get3A_281 = arith.index_cast %scan3A_251 : i32 to index
        %get3A_282 = arith.constant 48 : index
        %get3A_283 = tpu.vector_load %arg8[%get3A_281, %get3A_282] {strides = array<i32>} : memref<128x64xf32, #tpu.memory_space<vmem>>, vector<1x16xf32>,
        %get3A_284 = vector.shape_cast %get3A_283 : vector<1x16xf32> to vector<16xf32>
        %swap3A_285 = arith.index_cast %add3A_280 : i32 to index
        %swap3A_286 = arith.constant 48 : index
        %swap3A_287 = tpu.vector_load %arg10[%swap3A_285, %swap3A_286] {strides = array<i32>} : memref<512x64xf32, #tpu.memory_space<vmem>>, vector<1x16xf32>,
        %swap3A_288 = vector.shape_cast %swap3A_287 : vector<1x16xf32> to vector<16xf32>
        %swap3A_289 = vector.shape_cast %get3A_284 : vector<16xf32> to vector<1x16xf32>
        tpu.vector_store %arg10[%swap3A_285, %swap3A_286], %swap3A_289 {add = true, strides = array<i32>} : memref<512x64xf32, #tpu.memory_space<vmem>>, vector<1x16xf32>,
      }
      %scan3A_190 = arith.constant 128 : i32
      %add3A_191 = arith.constant 4 : i32
      %add3A_192 = arith.addi %add3A_148, %add3A_191 : i32
      %lt3A_193 = arith.constant 200 : i32
      %lt3A_194 = arith.cmpi slt, %add3A_192, %lt3A_193 : i32
      %convert_element_type3A_195 = arith.extui %lt3A_194 : i1 to i32
      %cond3A_196 = arith.constant 0 : i32
      %cond3A_197 = arith.cmpi ne, %convert_element_type3A_195, %cond3A_196 : i32
      scf.if %cond3A_197 {
        %add3A_251 = arith.constant 4 : i32
        %add3A_252 = arith.addi %add3A_148, %add3A_251 : i32
        %jit3A_253 = arith.constant 4 : i32
        %div3A_254 = arith.divsi %add3A_252, %jit3A_253 : i32
        %sign3A_255 = arith.constant 0 : i32
        %sign3A_256 = arith.cmpi sgt, %add3A_252, %sign3A_255 : i32
        %sign3A_257 = arith.extui %sign3A_256 : i1 to i32
        %sign3A_258 = arith.constant 0 : i32
        %sign3A_259 = arith.cmpi slt, %add3A_252, %sign3A_258 : i32
        %sign3A_260 = arith.extui %sign3A_259 : i1 to i32
        %sign3A_261 = arith.subi %sign3A_257, %sign3A_260 : i32
        %sign3A_262 = arith.constant 0 : i32
        %sign3A_263 = arith.cmpi sgt, %jit3A_253, %sign3A_262 : i32
        %sign3A_264 = arith.extui %sign3A_263 : i1 to i32
        %sign3A_265 = arith.constant 0 : i32
        %sign3A_266 = arith.cmpi slt, %jit3A_253, %sign3A_265 : i32
        %sign3A_267 = arith.extui %sign3A_266 : i1 to i32
        %sign3A_268 = arith.subi %sign3A_264, %sign3A_267 : i32
        %ne3A_269 = arith.cmpi ne, %sign3A_261, %sign3A_268 : i32
        %rem3A_270 = arith.remsi %add3A_252, %jit3A_253 : i32
        %ne3A_271 = arith.constant 0 : i32
        %ne3A_272 = arith.cmpi ne, %rem3A_270, %ne3A_271 : i32
        %and3A_273 = arith.andi %ne3A_269, %ne3A_272 : i1
        %sub3A_274 = arith.constant 1 : i32
        %sub3A_275 = arith.subi %div3A_254, %sub3A_274 : i32
        %select_n3A_276 = arith.select %and3A_273, %sub3A_275, %div3A_254 : i32
        %mul3A_277 = arith.constant 4 : i32
        %mul3A_278 = arith.muli %select_n3A_276, %mul3A_277 : i32
        %sub3A_279 = arith.subi %add3A_252, %mul3A_278 : i32
        %mul3A_280 = arith.constant 128 : i32
        %mul3A_281 = arith.muli %sub3A_279, %mul3A_280 : i32
        %dma_start3A_282 = tpu.memref_slice %arg5[%select_n3A_276, %mul3A_281] : memref<50x512xi32, #tpu.memory_space<vmem>> -> memref<1x128xi32, #tpu.memory_space<vmem>>
        %dma_start3A_283 = tpu.memref_squeeze %dma_start3A_282 : memref<1x128xi32, #tpu.memory_space<vmem>> -> memref<128xi32, #tpu.memory_space<vmem>>
        %dma_start3A_284 = arith.constant 0 : i32
        %dma_start3A_285 = arith.constant 0 : i32
        %dma_start3A_286 = tpu.memref_slice %arg3[%dma_start3A_284, %dma_start3A_285] : memref<1000000x64xf32, #tpu.memory_space<hbm>> -> memref<1000000x64xf32, #tpu.memory_space<hbm>>
        tpu.enqueue_indirect_dma source(%dma_start3A_286 : memref<1000000x64xf32, #tpu.memory_space<hbm>>) target(%arg8 : memref<128x64xf32, #tpu.memory_space<vmem>>) offsets(%dma_start3A_283 : memref<128xi32, #tpu.memory_space<vmem>>) semaphore(%arg13 : memref<!tpu.dma_semaphore, #tpu.memory_space<semaphore_mem>>)
      } else {
      }
      %mul3A_198 = arith.constant 4 : i32
      %mul3A_199 = arith.muli %mul3A_198, %scan3A_50 : i32
      %add3A_200 = arith.constant 3 : i32
      %add3A_201 = arith.addi %mul3A_199, %add3A_200 : i32
      %dma_wait3A_202 = arith.constant 0 : i32
      %dma_wait3A_203 = arith.constant 0 : i32
      %dma_wait3A_204 = tpu.memref_slice %arg5[%dma_wait3A_202, %dma_wait3A_203] : memref<50x512xi32, #tpu.memory_space<vmem>> -> memref<1x128xi32, #tpu.memory_space<vmem>>
      %dma_wait3A_205 = tpu.memref_squeeze %dma_wait3A_204 : memref<1x128xi32, #tpu.memory_space<vmem>> -> memref<128xi32, #tpu.memory_space<vmem>>
      %dma_wait3A_206 = arith.constant 0 : i32
      %dma_wait3A_207 = arith.constant 0 : i32
      %dma_wait3A_208 = tpu.memref_slice %arg3[%dma_wait3A_206, %dma_wait3A_207] : memref<1000000x64xf32, #tpu.memory_space<hbm>> -> memref<1000000x64xf32, #tpu.memory_space<hbm>>
      tpu.wait_indirect_dma semaphore(%arg14 : memref<!tpu.dma_semaphore, #tpu.memory_space<semaphore_mem>>) src(%dma_wait3A_208 : memref<1000000x64xf32, #tpu.memory_space<hbm>>) dst(%arg9 : memref<128x64xf32, #tpu.memory_space<vmem>>)
      %jit3A_209 = arith.constant 4 : i32
      %div3A_210 = arith.divsi %add3A_201, %jit3A_209 : i32
      %sign3A_211 = arith.constant 0 : i32
      %sign3A_212 = arith.cmpi sgt, %add3A_201, %sign3A_211 : i32
      %sign3A_213 = arith.extui %sign3A_212 : i1 to i32
      %sign3A_214 = arith.constant 0 : i32
      %sign3A_215 = arith.cmpi slt, %add3A_201, %sign3A_214 : i32
      %sign3A_216 = arith.extui %sign3A_215 : i1 to i32
      %sign3A_217 = arith.subi %sign3A_213, %sign3A_216 : i32
      %sign3A_218 = arith.constant 0 : i32
      %sign3A_219 = arith.cmpi sgt, %jit3A_209, %sign3A_218 : i32
      %sign3A_220 = arith.extui %sign3A_219 : i1 to i32
      %sign3A_221 = arith.constant 0 : i32
      %sign3A_222 = arith.cmpi slt, %jit3A_209, %sign3A_221 : i32
      %sign3A_223 = arith.extui %sign3A_222 : i1 to i32
      %sign3A_224 = arith.subi %sign3A_220, %sign3A_223 : i32
      %ne3A_225 = arith.cmpi ne, %sign3A_217, %sign3A_224 : i32
      %rem3A_226 = arith.remsi %add3A_201, %jit3A_209 : i32
      %ne3A_227 = arith.constant 0 : i32
      %ne3A_228 = arith.cmpi ne, %rem3A_226, %ne3A_227 : i32
      %and3A_229 = arith.andi %ne3A_225, %ne3A_228 : i1
      %sub3A_230 = arith.constant 1 : i32
      %sub3A_231 = arith.subi %div3A_210, %sub3A_230 : i32
      %select_n3A_232 = arith.select %and3A_229, %sub3A_231, %div3A_210 : i32
      %mul3A_233 = arith.constant 4 : i32
      %mul3A_234 = arith.muli %select_n3A_232, %mul3A_233 : i32
      %sub3A_235 = arith.subi %add3A_201, %mul3A_234 : i32
      %mul3A_236 = arith.constant 128 : i32
      %mul3A_237 = arith.muli %sub3A_235, %mul3A_236 : i32
      %scan3A_238 = arith.constant 0 : i32
      %scan3A_239 = arith.constant 0 : i32
      %scan3A_240 = arith.constant 128 : i32
      %scan3A_241 = arith.addi %scan3A_239, %scan3A_240 : i32
      %scan3A_242 = arith.constant 1 : i32
      scf.for %scan3A_251 = %scan3A_239 to %scan3A_241 step %scan3A_242  : i32 {
        %add3A_252 = arith.addi %mul3A_237, %scan3A_251 : i32
        %get3A = arith.index_cast %scan3A_251 : i32 to index
        %get3A_253 = arith.constant 0 : index
        %get3A_254 = tpu.vector_load %arg9[%get3A, %get3A_253] {strides = array<i32>} : memref<128x64xf32, #tpu.memory_space<vmem>>, vector<1x16xf32>,
        %get3A_255 = vector.shape_cast %get3A_254 : vector<1x16xf32> to vector<16xf32>
        %swap3A = arith.index_cast %add3A_252 : i32 to index
        %swap3A_256 = arith.constant 0 : index
        %swap3A_257 = tpu.vector_load %arg10[%swap3A, %swap3A_256] {strides = array<i32>} : memref<512x64xf32, #tpu.memory_space<vmem>>, vector<1x16xf32>,
        %swap3A_258 = vector.shape_cast %swap3A_257 : vector<1x16xf32> to vector<16xf32>
        %swap3A_259 = vector.shape_cast %get3A_255 : vector<16xf32> to vector<1x16xf32>
        tpu.vector_store %arg10[%swap3A, %swap3A_256], %swap3A_259 {add = true, strides = array<i32>} : memref<512x64xf32, #tpu.memory_space<vmem>>, vector<1x16xf32>,
        %add3A_260 = arith.addi %mul3A_237, %scan3A_251 : i32
        %get3A_261 = arith.index_cast %scan3A_251 : i32 to index
        %get3A_262 = arith.constant 16 : index
        %get3A_263 = tpu.vector_load %arg9[%get3A_261, %get3A_262] {strides = array<i32>} : memref<128x64xf32, #tpu.memory_space<vmem>>, vector<1x16xf32>,
        %get3A_264 = vector.shape_cast %get3A_263 : vector<1x16xf32> to vector<16xf32>
        %swap3A_265 = arith.index_cast %add3A_260 : i32 to index
        %swap3A_266 = arith.constant 16 : index
        %swap3A_267 = tpu.vector_load %arg10[%swap3A_265, %swap3A_266] {strides = array<i32>} : memref<512x64xf32, #tpu.memory_space<vmem>>, vector<1x16xf32>,
        %swap3A_268 = vector.shape_cast %swap3A_267 : vector<1x16xf32> to vector<16xf32>
        %swap3A_269 = vector.shape_cast %get3A_264 : vector<16xf32> to vector<1x16xf32>
        tpu.vector_store %arg10[%swap3A_265, %swap3A_266], %swap3A_269 {add = true, strides = array<i32>} : memref<512x64xf32, #tpu.memory_space<vmem>>, vector<1x16xf32>,
        %add3A_270 = arith.addi %mul3A_237, %scan3A_251 : i32
        %get3A_271 = arith.index_cast %scan3A_251 : i32 to index
        %get3A_272 = arith.constant 32 : index
        %get3A_273 = tpu.vector_load %arg9[%get3A_271, %get3A_272] {strides = array<i32>} : memref<128x64xf32, #tpu.memory_space<vmem>>, vector<1x16xf32>,
        %get3A_274 = vector.shape_cast %get3A_273 : vector<1x16xf32> to vector<16xf32>
        %swap3A_275 = arith.index_cast %add3A_270 : i32 to index
        %swap3A_276 = arith.constant 32 : index
        %swap3A_277 = tpu.vector_load %arg10[%swap3A_275, %swap3A_276] {strides = array<i32>} : memref<512x64xf32, #tpu.memory_space<vmem>>, vector<1x16xf32>,
        %swap3A_278 = vector.shape_cast %swap3A_277 : vector<1x16xf32> to vector<16xf32>
        %swap3A_279 = vector.shape_cast %get3A_274 : vector<16xf32> to vector<1x16xf32>
        tpu.vector_store %arg10[%swap3A_275, %swap3A_276], %swap3A_279 {add = true, strides = array<i32>} : memref<512x64xf32, #tpu.memory_space<vmem>>, vector<1x16xf32>,
        %add3A_280 = arith.addi %mul3A_237, %scan3A_251 : i32
        %get3A_281 = arith.index_cast %scan3A_251 : i32 to index
        %get3A_282 = arith.constant 48 : index
        %get3A_283 = tpu.vector_load %arg9[%get3A_281, %get3A_282] {strides = array<i32>} : memref<128x64xf32, #tpu.memory_space<vmem>>, vector<1x16xf32>,
        %get3A_284 = vector.shape_cast %get3A_283 : vector<1x16xf32> to vector<16xf32>
        %swap3A_285 = arith.index_cast %add3A_280 : i32 to index
        %swap3A_286 = arith.constant 48 : index
        %swap3A_287 = tpu.vector_load %arg10[%swap3A_285, %swap3A_286] {strides = array<i32>} : memref<512x64xf32, #tpu.memory_space<vmem>>, vector<1x16xf32>,
        %swap3A_288 = vector.shape_cast %swap3A_287 : vector<1x16xf32> to vector<16xf32>
        %swap3A_289 = vector.shape_cast %get3A_284 : vector<16xf32> to vector<1x16xf32>
        tpu.vector_store %arg10[%swap3A_285, %swap3A_286], %swap3A_289 {add = true, strides = array<i32>} : memref<512x64xf32, #tpu.memory_space<vmem>>, vector<1x16xf32>,
      }
      %scan3A_243 = arith.constant 128 : i32
      %add3A_244 = arith.constant 4 : i32
      %add3A_245 = arith.addi %add3A_201, %add3A_244 : i32
      %lt3A_246 = arith.constant 200 : i32
      %lt3A_247 = arith.cmpi slt, %add3A_245, %lt3A_246 : i32
      %convert_element_type3A_248 = arith.extui %lt3A_247 : i1 to i32
      %cond3A_249 = arith.constant 0 : i32
      %cond3A_250 = arith.cmpi ne, %convert_element_type3A_248, %cond3A_249 : i32
      scf.if %cond3A_250 {
        %add3A_251 = arith.constant 4 : i32
        %add3A_252 = arith.addi %add3A_201, %add3A_251 : i32
        %jit3A_253 = arith.constant 4 : i32
        %div3A_254 = arith.divsi %add3A_252, %jit3A_253 : i32
        %sign3A_255 = arith.constant 0 : i32
        %sign3A_256 = arith.cmpi sgt, %add3A_252, %sign3A_255 : i32
        %sign3A_257 = arith.extui %sign3A_256 : i1 to i32
        %sign3A_258 = arith.constant 0 : i32
        %sign3A_259 = arith.cmpi slt, %add3A_252, %sign3A_258 : i32
        %sign3A_260 = arith.extui %sign3A_259 : i1 to i32
        %sign3A_261 = arith.subi %sign3A_257, %sign3A_260 : i32
        %sign3A_262 = arith.constant 0 : i32
        %sign3A_263 = arith.cmpi sgt, %jit3A_253, %sign3A_262 : i32
        %sign3A_264 = arith.extui %sign3A_263 : i1 to i32
        %sign3A_265 = arith.constant 0 : i32
        %sign3A_266 = arith.cmpi slt, %jit3A_253, %sign3A_265 : i32
        %sign3A_267 = arith.extui %sign3A_266 : i1 to i32
        %sign3A_268 = arith.subi %sign3A_264, %sign3A_267 : i32
        %ne3A_269 = arith.cmpi ne, %sign3A_261, %sign3A_268 : i32
        %rem3A_270 = arith.remsi %add3A_252, %jit3A_253 : i32
        %ne3A_271 = arith.constant 0 : i32
        %ne3A_272 = arith.cmpi ne, %rem3A_270, %ne3A_271 : i32
        %and3A_273 = arith.andi %ne3A_269, %ne3A_272 : i1
        %sub3A_274 = arith.constant 1 : i32
        %sub3A_275 = arith.subi %div3A_254, %sub3A_274 : i32
        %select_n3A_276 = arith.select %and3A_273, %sub3A_275, %div3A_254 : i32
        %mul3A_277 = arith.constant 4 : i32
        %mul3A_278 = arith.muli %select_n3A_276, %mul3A_277 : i32
        %sub3A_279 = arith.subi %add3A_252, %mul3A_278 : i32
        %mul3A_280 = arith.constant 128 : i32
        %mul3A_281 = arith.muli %sub3A_279, %mul3A_280 : i32
        %dma_start3A_282 = tpu.memref_slice %arg5[%select_n3A_276, %mul3A_281] : memref<50x512xi32, #tpu.memory_space<vmem>> -> memref<1x128xi32, #tpu.memory_space<vmem>>
        %dma_start3A_283 = tpu.memref_squeeze %dma_start3A_282 : memref<1x128xi32, #tpu.memory_space<vmem>> -> memref<128xi32, #tpu.memory_space<vmem>>
        %dma_start3A_284 = arith.constant 0 : i32
        %dma_start3A_285 = arith.constant 0 : i32
        %dma_start3A_286 = tpu.memref_slice %arg3[%dma_start3A_284, %dma_start3A_285] : memref<1000000x64xf32, #tpu.memory_space<hbm>> -> memref<1000000x64xf32, #tpu.memory_space<hbm>>
        tpu.enqueue_indirect_dma source(%dma_start3A_286 : memref<1000000x64xf32, #tpu.memory_space<hbm>>) target(%arg9 : memref<128x64xf32, #tpu.memory_space<vmem>>) offsets(%dma_start3A_283 : memref<128xi32, #tpu.memory_space<vmem>>) semaphore(%arg14 : memref<!tpu.dma_semaphore, #tpu.memory_space<semaphore_mem>>)
      } else {
      }
    }
    %scan3A_40 = arith.constant 50 : i32
    %scan3A_41 = arith.constant 0 : i32
    %scan3A_42 = arith.constant 2.000000e-02 : f32
    %scan3A_43 = arith.constant 0 : i32
    %scan3A_44 = arith.constant 512 : i32
    %scan3A_45 = arith.addi %scan3A_43, %scan3A_44 : i32
    %scan3A_46 = arith.constant 1 : i32
    scf.for %scan3A_50 = %scan3A_43 to %scan3A_45 step %scan3A_46  : i32 {
      %get3A = arith.index_cast %scan3A_50 : i32 to index
      %get3A_51 = arith.constant 0 : index
      %get3A_52 = tpu.vector_load %arg10[%get3A, %get3A_51] {strides = array<i32>} : memref<512x64xf32, #tpu.memory_space<vmem>>, vector<1x16xf32>,
      %get3A_53 = vector.shape_cast %get3A_52 : vector<1x16xf32> to vector<16xf32>
      %mul3A_54 = vector.broadcast %scan3A_42 : f32 to vector<16xf32>
      %mul3A_55 = arith.mulf %get3A_53, %mul3A_54 : vector<16xf32>
      %swap3A = arith.index_cast %scan3A_50 : i32 to index
      %swap3A_56 = arith.constant 0 : index
      %swap3A_57 = tpu.vector_load %arg10[%swap3A, %swap3A_56] {strides = array<i32>} : memref<512x64xf32, #tpu.memory_space<vmem>>, vector<1x16xf32>,
      %swap3A_58 = vector.shape_cast %swap3A_57 : vector<1x16xf32> to vector<16xf32>
      %swap3A_59 = vector.shape_cast %mul3A_55 : vector<16xf32> to vector<1x16xf32>
      tpu.vector_store %arg10[%swap3A, %swap3A_56], %swap3A_59 {strides = array<i32>} : memref<512x64xf32, #tpu.memory_space<vmem>>, vector<1x16xf32>,
      %get3A_60 = arith.index_cast %scan3A_50 : i32 to index
      %get3A_61 = arith.constant 16 : index
      %get3A_62 = tpu.vector_load %arg10[%get3A_60, %get3A_61] {strides = array<i32>} : memref<512x64xf32, #tpu.memory_space<vmem>>, vector<1x16xf32>,
      %get3A_63 = vector.shape_cast %get3A_62 : vector<1x16xf32> to vector<16xf32>
      %mul3A_64 = vector.broadcast %scan3A_42 : f32 to vector<16xf32>
      %mul3A_65 = arith.mulf %get3A_63, %mul3A_64 : vector<16xf32>
      %swap3A_66 = arith.index_cast %scan3A_50 : i32 to index
      %swap3A_67 = arith.constant 16 : index
      %swap3A_68 = tpu.vector_load %arg10[%swap3A_66, %swap3A_67] {strides = array<i32>} : memref<512x64xf32, #tpu.memory_space<vmem>>, vector<1x16xf32>,
      %swap3A_69 = vector.shape_cast %swap3A_68 : vector<1x16xf32> to vector<16xf32>
      %swap3A_70 = vector.shape_cast %mul3A_65 : vector<16xf32> to vector<1x16xf32>
      tpu.vector_store %arg10[%swap3A_66, %swap3A_67], %swap3A_70 {strides = array<i32>} : memref<512x64xf32, #tpu.memory_space<vmem>>, vector<1x16xf32>,
      %get3A_71 = arith.index_cast %scan3A_50 : i32 to index
      %get3A_72 = arith.constant 32 : index
      %get3A_73 = tpu.vector_load %arg10[%get3A_71, %get3A_72] {strides = array<i32>} : memref<512x64xf32, #tpu.memory_space<vmem>>, vector<1x16xf32>,
      %get3A_74 = vector.shape_cast %get3A_73 : vector<1x16xf32> to vector<16xf32>
      %mul3A_75 = vector.broadcast %scan3A_42 : f32 to vector<16xf32>
      %mul3A_76 = arith.mulf %get3A_74, %mul3A_75 : vector<16xf32>
      %swap3A_77 = arith.index_cast %scan3A_50 : i32 to index
      %swap3A_78 = arith.constant 32 : index
      %swap3A_79 = tpu.vector_load %arg10[%swap3A_77, %swap3A_78] {strides = array<i32>} : memref<512x64xf32, #tpu.memory_space<vmem>>, vector<1x16xf32>,
      %swap3A_80 = vector.shape_cast %swap3A_79 : vector<1x16xf32> to vector<16xf32>
      %swap3A_81 = vector.shape_cast %mul3A_76 : vector<16xf32> to vector<1x16xf32>
      tpu.vector_store %arg10[%swap3A_77, %swap3A_78], %swap3A_81 {strides = array<i32>} : memref<512x64xf32, #tpu.memory_space<vmem>>, vector<1x16xf32>,
      %get3A_82 = arith.index_cast %scan3A_50 : i32 to index
      %get3A_83 = arith.constant 48 : index
      %get3A_84 = tpu.vector_load %arg10[%get3A_82, %get3A_83] {strides = array<i32>} : memref<512x64xf32, #tpu.memory_space<vmem>>, vector<1x16xf32>,
      %get3A_85 = vector.shape_cast %get3A_84 : vector<1x16xf32> to vector<16xf32>
      %mul3A_86 = vector.broadcast %scan3A_42 : f32 to vector<16xf32>
      %mul3A_87 = arith.mulf %get3A_85, %mul3A_86 : vector<16xf32>
      %swap3A_88 = arith.index_cast %scan3A_50 : i32 to index
      %swap3A_89 = arith.constant 48 : index
      %swap3A_90 = tpu.vector_load %arg10[%swap3A_88, %swap3A_89] {strides = array<i32>} : memref<512x64xf32, #tpu.memory_space<vmem>>, vector<1x16xf32>,
      %swap3A_91 = vector.shape_cast %swap3A_90 : vector<1x16xf32> to vector<16xf32>
      %swap3A_92 = vector.shape_cast %mul3A_87 : vector<16xf32> to vector<1x16xf32>
      tpu.vector_store %arg10[%swap3A_88, %swap3A_89], %swap3A_92 {strides = array<i32>} : memref<512x64xf32, #tpu.memory_space<vmem>>, vector<1x16xf32>,
    }
    %scan3A_47 = arith.constant 512 : i32
    %mul3A_48 = arith.constant 512 : i32
    %mul3A_49 = arith.muli %add3A, %mul3A_48 : i32
    "tpu.region"() ({
      %run_scoped3A = tpu.sem_alloc : memref<!tpu.dma_semaphore, #tpu.memory_space<semaphore_mem>>
      %dma_start3A_50 = arith.constant 0 : i32
      %dma_start3A_51 = tpu.memref_slice %arg4[%mul3A_49, %dma_start3A_50] : memref<16384x64xf32, #tpu.memory_space<hbm>> -> memref<512x64xf32, #tpu.memory_space<hbm>>
      %dma_start3A_52 = arith.constant 0 : i32
      %dma_start3A_53 = tpu.memref_slice %arg4[%mul3A_49, %dma_start3A_52] : memref<16384x64xf32, #tpu.memory_space<hbm>> -> memref<512x64xf32, #tpu.memory_space<hbm>>
      tpu.enqueue_dma source(%arg10 : memref<512x64xf32, #tpu.memory_space<vmem>>) target(%dma_start3A_53 : memref<512x64xf32, #tpu.memory_space<hbm>>) target_semaphore(%run_scoped3A : memref<!tpu.dma_semaphore, #tpu.memory_space<semaphore_mem>>)
      %dma_wait3A = arith.constant 0 : i32
      %dma_wait3A_54 = tpu.memref_slice %arg4[%mul3A_49, %dma_wait3A] : memref<16384x64xf32, #tpu.memory_space<hbm>> -> memref<512x64xf32, #tpu.memory_space<hbm>>
      %dma_wait3A_55 = arith.constant 0 : i32
      %dma_wait3A_56 = tpu.memref_slice %arg4[%mul3A_49, %dma_wait3A_55] : memref<16384x64xf32, #tpu.memory_space<hbm>> -> memref<512x64xf32, #tpu.memory_space<hbm>>
      tpu.wait_dma2 semaphore(%run_scoped3A : memref<!tpu.dma_semaphore, #tpu.memory_space<semaphore_mem>>) src(%arg10 : memref<512x64xf32, #tpu.memory_space<vmem>>) dst(%dma_wait3A_56 : memref<512x64xf32, #tpu.memory_space<hbm>>)
      tpu.yield
    }) : () -> ()
    return
  }
}

</mosaic_0001>

<sc_bundles>
// kernel: _emb_mean.3.cloned.1.call-start
scs
__scs_entry_jumppad:
0x0: {  	(pc) =	sbr.rel $0x88, $3  }
0x1: {  	(tag) =	ssettag $0x0;
	lr =	simm.s32 $0x1  }
0x2: {  	[smem:$0x3F9F] =	sst lr;
	_ =	strace $0xD0000000  }
0x3: {  	_ = 	snop  }
0x4: {  	_ = 	snop  }
0x5: {  	_ = 	snop  }
0x6: {  	_ = 	snop  }
0x7: {  	_ = 	snop  }
__scs_overlays_trampoline_lowered:
0x8: {  	[smem:$0x3FAE] =	sst s0  }
0x9: {  	[smem:$0x3FAF] =	sst s1  }
0xa: {  	[smem:$0x3FB0] =	sst s2  }
0xb: {  	[smem:$0x3FB1] =	sst s3  }
0xc: {  	[smem:$0x3FB2] =	sst s4  }
0xd: {  	[smem:$0x3FB3] =	sst s5  }
0xe: {  	[smem:$0x3FB4] =	sst s6  }
0xf: {  	[smem:$0x3FB5] =	sst s7  }
0x10: {  	[smem:$0x3FB6] =	sst s8  }
0x11: {  	[smem:$0x3FB7] =	sst s9;
	s0 =	simm.s32 @!p0 $0x0  }
0x12: {  	s1 =	sld [smem:$0x3F9D];
	s0 =	simm.s32 @p0 $0x1  }
0x13: {  	[smem:$0x3FB8] =	sst s0;
	s0 =	simm.s32 @!p1 $0x0  }
0x14: {  	s2 =	sld [smem:$0x3F9C];
	s0 =	simm.s32 @p1 $0x1  }
0x15: {  	[smem:$0x3FB9] =	sst s0;
	s0 =	simm.s32 @!p2 $0x0  }
0x16: {  	s3 =	sld [smem:$0x3FDB];
	s0 =	simm.s32 @p2 $0x1  }
0x17: {  	s4 =	simm.s32 $0x1BF5;
	[smem:$0x3FBB] =	sst s0  }
0x18: {  	s0 =	sld [smem:$0x3F9E];
	_ =	swait.ge [sflag:s4], $0x0  }
0x19: {  	s7 =	sld [smem:$0x3F9F]  }
0x1a: {  	s8 =	sadd.s32 $0xFFFFE003, lr  }
0x1b: {  	s9 =	sadd.s32 $0xFFFFFEF7, lr;
	s5 =	simm.s32 $0xFFFFFFFF;
	p2 =	slt.u32 s8, $0xFFFFF086  }
0x1c: {  	p1 =	slt.u32 s9, $0xF7A;
	s5 =	simm.s32 @!p2 $0x0  }
0x1d: {  	s5 =	simm.s32 @p1 $0x1;
	p0 =	seq.s32 s7, s2  }
0x1e: {  	s7 =	smul.u32 @!p0 $0xF7A, s2;
	p2 =	seq.s32 @!p0 s5, $0x0  }
0x1f: {  	s9 =	smul.u32 $0xF7A, s1;
	s8 =	simm.s32 @!p0 $0x1BF5;
	p2 =	por !p2, p0  }
0x20: {  	[sflag:s8] =	ssyncset.s32 @!p0 $0xFFFFF086;
	s6 =	sadd.s32 @!p0 s3, s7;
	s7 =	simm.s32 @!p0 $0x108  }
0x21: {  	s3 =	sadd.s32 s3, s9;
	s6 =	sadd.s32 @!p0 $0x88, s6;
	s7 =	simm.s32 @p2 $0x1082  }
0x22: {  	[simem:s7], [sflag:s8] =	dma.local @!p0 [hbm:s6], $0xF7A  }
0x23: {  	s9 =	sor.u32 $0xD0000000, s2;
	s6 =	simm.s32 $0x108;
	_ =	swait.ge @!p0 [sflag:s8], $0x0  }
0x24: {  	s3 =	sadd.s32 $0x88, s3;
	s6 =	simm.s32 @!p1 $0x1082;
	[sflag:s4] =	ssyncset.s32 $0xFFFFF086  }
0x25: {  	[simem:s6], [sflag:s4] =	dma.local [hbm:s3], $0xF7A  }
0x26: {  	[smem:$0x3F9F] =	sst s1;
	(tag) =	ssettag s2;
	_ =	strace s9  }
0x27: {  	s1 =	sld [smem:$0x3FAF]  }
0x28: {  	s2 =	sld [smem:$0x3FB0]  }
0x29: {  	s4 =	sld [smem:$0x3FB2]  }
0x2a: {  	p0 =	seq.s32 s5, $0x0;
	s5 =	sld [smem:$0x3FB3]  }
0x2b: {  	s6 =	sld [smem:$0x3FB4]  }
0x2c: {  	s7 =	sld [smem:$0x3FB5]  }
0x2d: {  	s3 =	simm.s32 $0x108;
	s8 =	sld [smem:$0x3FB6]  }
0x2e: {  	s3 =	simm.s32 @!p0 $0x1082;
	s9 =	sld [smem:$0x3FB7]  }
0x2f: {  	lr =	sadd.s32 s0, s3;
	s0 =	sld [smem:$0x3FAE]  }
0x30: {  	s3 =	sld [smem:$0x3FB1]  }
0x31: {  	[smem:$0x3FBA] =	sst s10  }
0x32: {  	s10 =	sld [smem:$0x3FB8];
	_ =	sdelay $0x3  }
0x33: {  	p0 =	seq.s32 s10, $0x1;
	s10 =	sld [smem:$0x3FBA];
	_ =	sdelay $0x3  }
0x34: {  	[smem:$0x3FBA] =	sst s10  }
0x35: {  	s10 =	sld [smem:$0x3FB9];
	_ =	sdelay $0x3  }
0x36: {  	p1 =	seq.s32 s10, $0x1;
	s10 =	sld [smem:$0x3FBA];
	_ =	sdelay $0x3  }
0x37: {  	[smem:$0x3FBA] =	sst s10  }
0x38: {  	s10 =	sld [smem:$0x3FBB]  }
0x39: {  	_ = 	snop;
	(pc) =	sbr.ind lr, $3  }
0x3a: {  	_ = 	snop  }
0x3b: {  	_ = 	snop  }
0x3c: {  	p2 =	seq.s32 s10, $0x1;
	s10 =	sld [smem:$0x3FBA]  }
0x3d: {  	_ =	shalt  }
0x3e: {  	_ =	shalt  }
0x3f: {  	_ =	shalt  }
0x40: {  	_ =	shalt  }
0x41: {  	_ =	shalt  }
0x42: {  	_ =	shalt  }
0x43: {  	_ =	shalt  }
0x44: {  	_ =	shalt  }
0x45: {  	_ =	shalt  }
0x46: {  	_ =	shalt  }
0x47: {  	_ =	shalt  }
0x48: {  	_ =	shalt  }
0x49: {  	_ =	shalt  }
0x4a: {  	_ =	shalt  }
0x4b: {  	_ =	shalt  }
0x4c: {  	_ =	shalt  }
0x4d: {  	_ =	shalt  }
0x4e: {  	_ =	shalt  }
0x4f: {  	_ =	shalt  }
0x50: {  	_ =	shalt  }
0x51: {  	_ =	shalt  }
0x52: {  	_ =	shalt  }
0x53: {  	_ =	shalt  }
0x54: {  	_ =	shalt  }
0x55: {  	_ =	shalt  }
0x56: {  	_ =	shalt  }
0x57: {  	_ =	shalt  }
0x58: {  	_ =	shalt  }
0x59: {  	_ =	shalt  }
0x5a: {  	_ =	shalt  }
0x5b: {  	_ =	shalt  }
0x5c: {  	_ =	shalt  }
0x5d: {  	_ =	shalt  }
0x5e: {  	_ =	shalt  }
0x5f: {  	_ =	shalt  }
0x60: {  	_ =	shalt  }
0x61: {  	_ =	shalt  }
0x62: {  	_ =	shalt  }
0x63: {  	_ =	shalt  }
0x64: {  	_ =	shalt  }
0x65: {  	_ =	shalt  }
0x66: {  	_ =	shalt  }
0x67: {  	_ =	shalt  }
0x68: {  	_ =	shalt  }
0x69: {  	_ =	shalt  }
0x6a: {  	_ =	shalt  }
0x6b: {  	_ =	shalt  }
0x6c: {  	_ =	shalt  }
0x6d: {  	_ =	shalt  }
0x6e: {  	_ =	shalt  }
0x6f: {  	_ =	shalt  }
0x70: {  	_ =	shalt  }
0x71: {  	_ =	shalt  }
0x72: {  	_ =	shalt  }
0x73: {  	_ =	shalt  }
0x74: {  	_ =	shalt  }
0x75: {  	_ =	shalt  }
0x76: {  	_ =	shalt  }
0x77: {  	_ =	shalt  }
0x78: {  	_ =	shalt  }
0x79: {  	_ =	shalt  }
0x7a: {  	_ =	shalt  }
0x7b: {  	_ =	shalt  }
0x7c: {  	_ =	shalt  }
0x7d: {  	_ =	shalt  }
0x7e: {  	_ =	shalt  }
0x7f: {  	_ =	shalt  }
0x80: {  	_ =	shalt  }
0x81: {  	_ =	shalt  }
0x82: {  	_ =	shalt  }
0x83: {  	_ =	shalt  }
0x84: {  	_ =	shalt  }
0x85: {  	_ =	shalt  }
0x86: {  	_ =	shalt  }
0x87: {  	_ =	shalt  }
.Lfunc_end0:
.L_simem_size_0:
called_computation_lowered:
.L_overlay_start_0:
0x88: {  	s2 =	sld [smem:$0x3FD9]  }
0x89: {  	s3 =	sld [smem:$0x3FFE];
	_ =	sdelay $0x1  }
0x8a: {  	s1 =	srdreg.scid  }
0x8b: {  	s0 =	sand.u32 $0x1, s1  }
0x8c: {  	s17 =	sshll.u32 s0, $0xA;
	s2 =	sadd.s32 s3, s2  }
0x8d: {  	s2 =	sadd.s32 s2, s17  }
0x8e: {  	[smem:$0x3FC6] =	sst s2  }
0x8f: {  	_ = 	snop  }
0x90: {  	s2 =	sld [smem:$0x3FD0];
	(tm) =	ssettm $0x1  }
0x91: {  	s18 =	sld [smem:$0x3FFB];
	_ =	sdelay $0x3  }
0x92: {  	_ =	strace s18  }
0x93: {  	s3 =	sld [smem:$0x3FFC];
	_ =	sdelay $0x3  }
0x94: {  	_ =	strace s3  }
0x95: {  	s3 =	sld [smem:$0x3FFD];
	_ =	sdelay $0x3  }
0x96: {  	_ =	strace s3  }
0x97: {  	_ =	strace $0x8FFFFFFF  }
0x98: {  	s19 =	sld [smem:$0x3FDB];
	_ =	sdelay $0x1  }
0x99: {  	s4 =	simm.s32 $_scs_section_size  }
0x9a: {  	s5 =	simm.s32 $_size__tile_overlayer_lowered;
	s6 =	simm.s32 $_tile_overlayer_lowered  }
0x9b: {  	s22 =	simm.s32 $0x1BFF;
	s21 =	sshll.u32 s6, $0x1;
	s3 =	sadd.s32 s4, s19  }
0x9c: {  	s7 =	simm.s32 $0x0;
	s20 =	sshll.u32 s5, $0x1;
	s5 =	sadd.s32 s21, s3  }
0x9d: {  	[timem:s7], [sflag:s22] =	dma.local [hbm:s5], s20  }
0x9e: {  	_ =	swait.ge [sflag:s22], s20  }
0x9f: {  	s4 =	ssub.s32 $0x0, s20;
	[sflag:s22] =	ssyncset.done $0x0  }
0xa0: {  	[sflag:s22] =	ssyncadd.s32 s4;
	_ =	sdelay $0x1  }
0xa1: {  	s23 =	simm.s32 $0x1B8B  }
0xa2: {  	_ =	swait.ge [sflag:s23], $0x1  }
0xa3: {  	[sflag:s23] =	ssyncset.done $0x0  }
0xa4: {  	s25 =	simm.s32 $0x1B8E;
	s24 =	sld [smem:$0x3FFE];
	[sflag:s23] =	ssyncadd.s32 $0xFFFFFFFF  }
0xa5: {  	s26 =	simm.s32 $execute0_lowered;
	[smem:$0x3FD2] =	sst s25  }
0xa6: {  	s5 =	sshll.u32 s26, $0x1;
	_ =	strace $0x80000046;
	[dreg:$0x1] =	wrdreg $0xFFFFFFFF  }
0xa7: {  	s28 =	simm.s32 $_size_execute0_lowered;
	s3 =	sadd.s32 s3, s5;
	[dreg:$0x0] =	wrdreg $0x0  }
0xa8: {  	s5 =	sshll.u32 s28, $0x1;
	[dreg:$0x2] =	wrdreg s3  }
0xa9: {  	[dreg:$0x3] =	wrdreg s5  }
0xaa: {  	[dreg:$0x4] =	wrdreg $0xC0  }
0xab: {  	_ =	task [dreg:s7], $0x5FFFF  }
0xac: {  	[dreg:$0x1] =	wrdreg $0xFFFFFFFF  }
0xad: {  	[dreg:$0x0] =	wrdreg $0x60  }
0xae: {  	[dreg:$0x2] =	wrdreg s24  }
0xaf: {  	[dreg:$0x3] =	wrdreg s2  }
0xb0: {  	[dreg:$0x4] =	wrdreg $0x9  }
0xb1: {  	_ =	task.clear_ibuf [dreg:s7], $0x5FFFF;
	_ =	strace $0x90000046  }
0xb2: {  	s29 =	simm.s32 $0x9;
	_ =	strace $0x80000048  }
0xb3: {  	_ =	swait.ge [sflag:s29], $0x1  }
0xb4: {  	[sflag:s29] =	ssyncadd.s32 $0xFFFFFFFF  }
0xb5: {  	_ =	strace $0x90000048  }
0xb6: {  	_ =	sfence  }
0xb7: {  	s30 =	sld [smem:$0x0];
	_ =	sdelay $0x2  }
0xb8: {  	s31 =	sshll.u32 s1, $0xD;
	s1 =	sshrl.u32 s1, $0x2  }
0xb9: {  	s3 =	sand.u32 $0x4000, s31;
	s1 =	sadd.s32 s1, s30  }
0xba: {  	s0 =	sor.u32 s3, s0;
	s1 =	sshll.u32 s1, $0x11  }
0xbb: {  	s0 =	sor.u32 s1, s0  }
0xbc: {  	s0 =	sadd.s32 $0x8F2B, s0  }
0xbd: {  	[sflag:s0] =	ssyncadd.remote.s32 $0x1  }
0xbe: {  	_ =	sfence.sel $0xFFFF  }
0xbf: {  	[dreg:$0x0] =	wrdreg $0xFFFFFFFF;
	(pc) =	sbr.abs _section_cstart, $3  }
0xc0: {  	[dreg:$0x1] =	wrdreg $0xFFFFFFFF  }
0xc1: {  	_ =	task.clear_ibuf [dreg:s7], $0x2FFFF;
	_ =	strace $0x9FFFFFFF  }
0xc2: {  	(tm) =	ssettm $0x7FFFFFFF  }
0xc3: {  	_ =	shalt  }
tec
execute0_lowered:
.L_overlay_start_1:
0x0: {  	(tag) =	ssettag $0x1  }
0x1: {  	s3 =	rddreg [dreg:$0x0]  }
0x2: {  	s5 =	rddreg [dreg:$0x1];
	s2 =	srdreg.scid  }
0x3: {  	s0 =	rddreg [dreg:$0x2];
	s1 =	stileid.u32  }
0x4: {  	s9 =	simm.s32 $0x5;
	s10 =	simm.s32 $0x80;
	s11 =	simm.s32 $0x6400  }
0x5: {  	s12 =	simm.s32 $0x8400;
	s13 =	simm.s32 $0x100;
	s14 =	simm.s32 $0xA400  }
0x6: {  	s15 =	simm.s32 $0x180;
	s16 =	simm.s32 $0xC400;
	s17 =	simm.s32 $0x1  }
0x7: {  	s18 =	simm.s32 $0x2;
	s19 =	simm.s32 $0x3;
	s20 =	simm.s32 $0x4  }
0x8: {  	s21 =	simm.s32 $0xE400;
	s22 =	simm.s32 $0x0;
	s4 =	sand.u32 $0x1, s2  }
0x9: {  	s2 =	simm.s32 $0x0;
	s6 =	sshll.u32 s1, $0xA;
	s7 =	sshll.u32 s4, $0x9  }
0xa: {  	[smem:$0x7FF] =	sst s2;
	s4 =	ssub.s32 $0x2, s4;
	s6 =	sor.u32 s7, s6  }
0xb: {  	_ =	strace $0x80000047;
	s8 =	sshrl.u32 s4, $0x1;
	s7 =	sshrl.u32 s6, $0x3  }
0xc: {  	s8 =	ssub.s32 s4, s8;
	s6 =	sshll.u32 s6, $0x3;
	s7 =	sadd.s32 s7, s3  }
0xd: {  	s3 =	sadd.s32 $0xF42A00, s3;
	s5 =	sadd.s32 s5, s6;
	s6 =	smax.u32 s8, $0x1  }
0xe: {  	v0 =	vimm.f32 $0.0e+00;
	s8 =	simm.s32 $0x4000;
	s4 =	sadd.s32 $0x600, s7;
	s7 =	simm.s32 $0x200  }
.LBB2_1:
0xf: {  	[tilespmem:s2], [sflag:$0x5] =	stream.strided.gather [hbm4b:s4+s7], $0x6400, s8, s7, $0x38;
	[tilespmem:$0x16400] =	vst v63  }
0x10: {  	_ =	swait.ge [sflag:s9], $0x6400  }
0x11: {  	[sflag:s9] =	ssyncset.done $0x0  }
0x12: {  	s24 =	simm.s32 $0x100;
	s23 =	simm.s32 $0x0;
	[sflag:s9] =	ssyncadd.s32 $0xFFFF9C00  }
.LBB2_2:
0x13: {  	p0 =	sne.s32 s24, $0x1FF00;
	[tilespmem:s23+$0xE430] =	vst v0;
	s25 =	smov.u32 s24;
	s24 =	sadd.s32 $0x100, s24  }
.Ltmp0:
0x14: {  	[tilespmem:s23+$0xE420] =	vst v0;
	(pc) =	sbr.rel @p0 .LBB2_2-.Ltmp0, $3  }
0x15: {  	[tilespmem:s23+$0xE400] =	vst v0  }
0x16: {  	[tilespmem:s23+$0xE410] =	vst v0;
	_ =	sdelay $0x1  }
0x17: {  	s23 =	sshra.s32 s25, $0x2  }
0x18: {  	[tilespmem:s23+$0xE430] =	vst v0  }
0x19: {  	[tilespmem:s23+$0xE420] =	vst v0  }
0x1a: {  	[tilespmem:s23+$0xE400] =	vst v0  }
0x1b: {  	[tilespmem:s23+$0xE410] =	vst v0;
	s23 =	simm.s32 $0x0  }
0x1c: {  	[tilespmem:s11], [sflag:$0x1] =	stream.indirect.gather [hbm4b:s3+s10], $0x40, s23, s10, $0xb8;
	[tilespmem:$0x16400] =	vst v63  }
0x1d: {  	_ = 	snop  }
0x1e: {  	[tilespmem:s12], [sflag:$0x2] =	stream.indirect.gather [hbm4b:s3+s10], $0x40, s10, s10, $0xb8;
	[tilespmem:$0x16400] =	vst v63  }
0x1f: {  	_ = 	snop  }
0x20: {  	[tilespmem:s14], [sflag:$0x3] =	stream.indirect.gather [hbm4b:s3+s10], $0x40, s13, s10, $0xb8;
	[tilespmem:$0x16400] =	vst v63  }
0x21: {  	_ = 	snop  }
0x22: {  	[tilespmem:s16], [sflag:$0x4] =	stream.indirect.gather [hbm4b:s3+s10], $0x40, s15, s10, $0xb8;
	[tilespmem:$0x16400] =	vst v63  }
.LBB2_4:
0x23: {  	_ =	swait.ge [sflag:s17], $0x2000  }
0x24: {  	[sflag:s17] =	ssyncset.done $0x0  }
0x25: {  	s24 =	simm.s32 $0x0;
	[sflag:s17] =	ssyncadd.s32 $0xFFFFE000  }
0x26: {  	v2 =	vld [tilespmem:s24+$0x6430]  }
0x27: {  	v3 =	vld [tilespmem:s24+$0x6400]  }
0x28: {  	v4 =	vld [tilespmem:s24+$0x6410]  }
0x29: {  	v1 =	vld [tilespmem:s24+$0x6420];
	_ =	sdelay $0x1  }
0x2a: {  	[tilespmem:s24+$0xE430] =	vst.add.f32.msk $0xffff, v2  }
0x2b: {  	[tilespmem:s24+$0xE400] =	vst.add.f32.msk $0xffff, v3  }
0x2c: {  	s25 =	simm.s32 $0x40;
	s26 =	simm.s32 $0x200;
	[tilespmem:s24+$0xE410] =	vst.add.f32.msk $0xffff, v4  }
.LBB2_5:
0x2d: {  	p0 =	sne.s32 s26, $0x7F00;
	v2 =	vld [tilespmem:s25+$0x6430];
	v3 =	vmov v1  }
0x2e: {  	v4 =	vld [tilespmem:s25+$0x6400]  }
0x2f: {  	v5 =	vld [tilespmem:s25+$0x6410]  }
.Ltmp1:
0x30: {  	v1 =	vld [tilespmem:s25+$0x6420];
	(pc) =	sbr.rel @p0 .LBB2_5-.Ltmp1, $4  }
0x31: {  	[tilespmem:s24+$0xE420] =	vst.add.f32.msk $0xffff, v3;
	s24 =	smov.u32 s25  }
0x32: {  	[tilespmem:s24+$0xE430] =	vst.add.f32.msk $0xffff, v2  }
0x33: {  	[tilespmem:s24+$0xE400] =	vst.add.f32.msk $0xffff, v4  }
0x34: {  	s25 =	sshra.s32 s26, $0x2;
	s26 =	sadd.s32 $0x100, s26;
	[tilespmem:s24+$0xE410] =	vst.add.f32.msk $0xffff, v5  }
0x35: {  	v2 =	vld [tilespmem:s25+$0x6430]  }
0x36: {  	v3 =	vld [tilespmem:s25+$0x6400]  }
0x37: {  	v4 =	vld [tilespmem:s25+$0x6410]  }
0x38: {  	v5 =	vld [tilespmem:s25+$0x6420]  }
0x39: {  	[tilespmem:s24+$0xE420] =	vst.add.f32.msk $0xffff, v1  }
0x3a: {  	p0 =	seq.s32 s23, $0x31;
	[tilespmem:s25+$0xE430] =	vst.add.f32.msk $0xffff, v2  }
0x3b: {  	s24 =	sshll.u32 @!p0 s23, $0x9;
	[tilespmem:s25+$0xE400] =	vst.add.f32.msk $0xffff, v3  }
0x3c: {  	s24 =	sand.u32 @!p0 $0x3FFFFE00, s24;
	[tilespmem:s25+$0xE410] =	vst.add.f32.msk $0xffff, v4  }
0x3d: {  	s26 =	simm.s32 @!p0 $0x6400;
	s24 =	sadd.s32 @!p0 $0x200, s24;
	[tilespmem:s25+$0xE420] =	vst.add.f32.msk $0xffff, v5;
	s25 =	simm.s32 @!p0 $0x80  }
0x3e: {  	[tilespmem:s26], [sflag:$0x1] =	stream.indirect.gather @!p0 [hbm4b:s3+s25], $0x40, s24, s25, $0xb8;
	[tilespmem:$0x16400] =	vst v63  }
0x3f: {  	_ =	swait.ge [sflag:s18], $0x2000  }
0x40: {  	[sflag:s18] =	ssyncset.done $0x0  }
0x41: {  	s24 =	simm.s32 $0x0;
	[sflag:s18] =	ssyncadd.s32 $0xFFFFE000  }
0x42: {  	v2 =	vld [tilespmem:s24+$0x8430]  }
0x43: {  	v3 =	vld [tilespmem:s24+$0x8400]  }
0x44: {  	v63 =	vld [tilespmem:s24+$0x8410]  }
0x45: {  	v1 =	vld [tilespmem:s24+$0x8420];
	_ =	sdelay $0x1  }
0x46: {  	[tilespmem:s24+$0x10430] =	vst.add.f32.msk $0xffff, v2  }
0x47: {  	[tilespmem:s24+$0x10400] =	vst.add.f32.msk $0xffff, v3  }
0x48: {  	s25 =	simm.s32 $0x40;
	s26 =	simm.s32 $0x200;
	[tilespmem:s24+$0x10410] =	vst.add.f32.msk $0xffff, v63  }
.LBB2_7:
0x49: {  	p1 =	sne.s32 s26, $0x7F00;
	v2 =	vld [tilespmem:s25+$0x8430];
	v3 =	vmov v1  }
0x4a: {  	v4 =	vld [tilespmem:s25+$0x8400]  }
0x4b: {  	v5 =	vld [tilespmem:s25+$0x8410]  }
.Ltmp2:
0x4c: {  	v1 =	vld [tilespmem:s25+$0x8420];
	(pc) =	sbr.rel @p1 .LBB2_7-.Ltmp2, $4  }
0x4d: {  	[tilespmem:s24+$0x10420] =	vst.add.f32.msk $0xffff, v3;
	s24 =	smov.u32 s25  }
0x4e: {  	[tilespmem:s24+$0x10430] =	vst.add.f32.msk $0xffff, v2  }
0x4f: {  	[tilespmem:s24+$0x10400] =	vst.add.f32.msk $0xffff, v4  }
0x50: {  	s25 =	sshra.s32 s26, $0x2;
	s26 =	sadd.s32 $0x100, s26;
	[tilespmem:s24+$0x10410] =	vst.add.f32.msk $0xffff, v5  }
0x51: {  	v2 =	vld [tilespmem:s25+$0x8430]  }
0x52: {  	v3 =	vld [tilespmem:s25+$0x8400]  }
0x53: {  	v4 =	vld [tilespmem:s25+$0x8410]  }
0x54: {  	v5 =	vld [tilespmem:s25+$0x8420]  }
0x55: {  	[tilespmem:s24+$0x10420] =	vst.add.f32.msk $0xffff, v1  }
0x56: {  	[tilespmem:s25+$0x10430] =	vst.add.f32.msk $0xffff, v2  }
0x57: {  	s24 =	sshll.u32 @!p0 s23, $0xB;
	[tilespmem:s25+$0x10400] =	vst.add.f32.msk $0xffff, v3  }
0x58: {  	s24 =	sshra.s32 @!p0 s24, $0x2;
	[tilespmem:s25+$0x10410] =	vst.add.f32.msk $0xffff, v4  }
0x59: {  	s26 =	simm.s32 @!p0 $0x80;
	s28 =	simm.s32 @!p0 $0x8400;
	[tilespmem:s25+$0x10420] =	vst.add.f32.msk $0xffff, v5;
	s25 =	sadd.s32 @!p0 $0x280, s24  }
0x5a: {  	[tilespmem:s28], [sflag:$0x2] =	stream.indirect.gather @!p0 [hbm4b:s3+s26], $0x40, s25, s26, $0xb8;
	[tilespmem:$0x16400] =	vst v63  }
0x5b: {  	_ =	swait.ge [sflag:s19], $0x2000  }
0x5c: {  	[sflag:s19] =	ssyncset.done $0x0  }
0x5d: {  	s25 =	simm.s32 $0x0;
	[sflag:s19] =	ssyncadd.s32 $0xFFFFE000  }
0x5e: {  	v2 =	vld [tilespmem:s25+$0xA430]  }
0x5f: {  	v3 =	vld [tilespmem:s25+$0xA400]  }
0x60: {  	v63 =	vld [tilespmem:s25+$0xA410]  }
0x61: {  	v1 =	vld [tilespmem:s25+$0xA420];
	_ =	sdelay $0x1  }
0x62: {  	[tilespmem:s25+$0x12430] =	vst.add.f32.msk $0xffff, v2  }
0x63: {  	[tilespmem:s25+$0x12400] =	vst.add.f32.msk $0xffff, v3  }
0x64: {  	s26 =	simm.s32 $0x40;
	s28 =	simm.s32 $0x200;
	[tilespmem:s25+$0x12410] =	vst.add.f32.msk $0xffff, v63  }
.LBB2_9:
0x65: {  	p1 =	sne.s32 s28, $0x7F00;
	v2 =	vld [tilespmem:s26+$0xA430];
	v3 =	vmov v1  }
0x66: {  	v4 =	vld [tilespmem:s26+$0xA400]  }
0x67: {  	v5 =	vld [tilespmem:s26+$0xA410]  }
.Ltmp3:
0x68: {  	v1 =	vld [tilespmem:s26+$0xA420];
	(pc) =	sbr.rel @p1 .LBB2_9-.Ltmp3, $4  }
0x69: {  	[tilespmem:s25+$0x12420] =	vst.add.f32.msk $0xffff, v3;
	s25 =	smov.u32 s26  }
0x6a: {  	[tilespmem:s25+$0x12430] =	vst.add.f32.msk $0xffff, v2  }
0x6b: {  	[tilespmem:s25+$0x12400] =	vst.add.f32.msk $0xffff, v4  }
0x6c: {  	s26 =	sshra.s32 s28, $0x2;
	s28 =	sadd.s32 $0x100, s28;
	[tilespmem:s25+$0x12410] =	vst.add.f32.msk $0xffff, v5  }
0x6d: {  	v2 =	vld [tilespmem:s26+$0xA430]  }
0x6e: {  	v3 =	vld [tilespmem:s26+$0xA400]  }
0x6f: {  	v4 =	vld [tilespmem:s26+$0xA410]  }
0x70: {  	v5 =	vld [tilespmem:s26+$0xA420]  }
0x71: {  	[tilespmem:s25+$0x12420] =	vst.add.f32.msk $0xffff, v1  }
0x72: {  	[tilespmem:s26+$0x12430] =	vst.add.f32.msk $0xffff, v2  }
0x73: {  	[tilespmem:s26+$0x12400] =	vst.add.f32.msk $0xffff, v3  }
0x74: {  	[tilespmem:s26+$0x12410] =	vst.add.f32.msk $0xffff, v4  }
0x75: {  	s24 =	sadd.s32 @!p0 $0x300, s24;
	s25 =	simm.s32 @!p0 $0x80;
	[tilespmem:s26+$0x12420] =	vst.add.f32.msk $0xffff, v5;
	s26 =	simm.s32 @!p0 $0xA400  }
0x76: {  	[tilespmem:s26], [sflag:$0x3] =	stream.indirect.gather @!p0 [hbm4b:s3+s25], $0x40, s24, s25, $0xb8;
	[tilespmem:$0x16400] =	vst v63  }
0x77: {  	_ =	swait.ge [sflag:s20], $0x2000  }
0x78: {  	[sflag:s20] =	ssyncset.done $0x0  }
0x79: {  	s24 =	simm.s32 $0x0;
	[sflag:s20] =	ssyncadd.s32 $0xFFFFE000  }
0x7a: {  	v2 =	vld [tilespmem:s24+$0xC430]  }
0x7b: {  	v3 =	vld [tilespmem:s24+$0xC400]  }
0x7c: {  	v63 =	vld [tilespmem:s24+$0xC410]  }
0x7d: {  	v1 =	vld [tilespmem:s24+$0xC420];
	_ =	sdelay $0x1  }
0x7e: {  	[tilespmem:s24+$0x14430] =	vst.add.f32.msk $0xffff, v2  }
0x7f: {  	[tilespmem:s24+$0x14400] =	vst.add.f32.msk $0xffff, v3  }
0x80: {  	s25 =	simm.s32 $0x40;
	s26 =	simm.s32 $0x200;
	[tilespmem:s24+$0x14410] =	vst.add.f32.msk $0xffff, v63  }
.LBB2_11:
0x81: {  	p1 =	sne.s32 s26, $0x7F00;
	v2 =	vld [tilespmem:s25+$0xC430];
	v3 =	vmov v1  }
0x82: {  	v4 =	vld [tilespmem:s25+$0xC400]  }
0x83: {  	v5 =	vld [tilespmem:s25+$0xC410]  }
.Ltmp4:
0x84: {  	v1 =	vld [tilespmem:s25+$0xC420];
	(pc) =	sbr.rel @p1 .LBB2_11-.Ltmp4, $4  }
0x85: {  	[tilespmem:s24+$0x14420] =	vst.add.f32.msk $0xffff, v3;
	s24 =	smov.u32 s25  }
0x86: {  	[tilespmem:s24+$0x14430] =	vst.add.f32.msk $0xffff, v2  }
0x87: {  	[tilespmem:s24+$0x14400] =	vst.add.f32.msk $0xffff, v4  }
0x88: {  	s25 =	sshra.s32 s26, $0x2;
	s26 =	sadd.s32 $0x100, s26;
	[tilespmem:s24+$0x14410] =	vst.add.f32.msk $0xffff, v5  }
0x89: {  	v2 =	vld [tilespmem:s25+$0xC430]  }
0x8a: {  	v3 =	vld [tilespmem:s25+$0xC400]  }
0x8b: {  	v4 =	vld [tilespmem:s25+$0xC410]  }
0x8c: {  	v5 =	vld [tilespmem:s25+$0xC420]  }
.Ltmp5:
0x8d: {  	[tilespmem:s24+$0x14420] =	vst.add.f32.msk $0xffff, v1;
	(pc) =	sbr.rel @p0 .LBB2_14-.Ltmp5, $4  }
0x8e: {  	[tilespmem:s25+$0x14430] =	vst.add.f32.msk $0xffff, v2  }
0x8f: {  	[tilespmem:s25+$0x14400] =	vst.add.f32.msk $0xffff, v3  }
0x90: {  	[tilespmem:s25+$0x14410] =	vst.add.f32.msk $0xffff, v4  }
0x91: {  	[tilespmem:s25+$0x14420] =	vst.add.f32.msk $0xffff, v5  }
.Ltmp6:
0x92: {  	(pc) =	sbr.rel .LBB2_4-.Ltmp6, $4  }
0x93: {  	s24 =	sshll.u32 s23, $0xB  }
0x94: {  	s24 =	sshra.s32 s24, $0x2  }
0x95: {  	s23 =	sadd.s32 $0x1, s23;
	s24 =	sadd.s32 $0x380, s24  }
0x96: {  	[tilespmem:s16], [sflag:$0x4] =	stream.indirect.gather [hbm4b:s3+s10], $0x40, s24, s10, $0xb8;
	[tilespmem:$0x16400] =	vst v63  }
.LBB2_14:
0x97: {  	s23 =	simm.s32 $0x0  }
0x98: {  	v1 =	vld [tilespmem:s23+$0xE400]  }
0x99: {  	v3 =	vld [tilespmem:s23+$0xE410]  }
0x9a: {  	s24 =	simm.s32 $0x100;
	v2 =	vld [tilespmem:s23+$0xE420]  }
.LBB2_15:
0x9b: {  	p0 =	sne.s32 s24, $0x1FF00;
	v4 =	vld [tilespmem:s23+$0xE430];
	_ =	sdelay $0x1  }
0x9c: {  	v1 =	vmul.f32 $1.999999960e-02, v1  }
.Ltmp7:
0x9d: {  	v3 =	vmul.f32 $1.999999960e-02, v3;
	(pc) =	sbr.rel @p0 .LBB2_15-.Ltmp7, $4  }
0x9e: {  	s25 =	sshra.s32 s24, $0x2;
	[tilespmem:s23+$0xE400] =	vst v1;
	v2 =	vmul.f32 $1.999999960e-02, v2  }
0x9f: {  	v1 =	vld [tilespmem:s25+$0xE400];
	[tilespmem:s23+$0xE410] =	vst v3;
	v4 =	vmul.f32 $1.999999960e-02, v4  }
0xa0: {  	v3 =	vld [tilespmem:s25+$0xE410];
	[tilespmem:s23+$0xE420] =	vst v2  }
0xa1: {  	s24 =	sadd.s32 $0x100, s24;
	v2 =	vld [tilespmem:s25+$0xE420];
	[tilespmem:s23+$0xE430] =	vst v4;
	s23 =	smov.u32 s25  }
0xa2: {  	v4 =	vld [tilespmem:s23+$0xE430];
	_ =	sdelay $0x1  }
0xa3: {  	v1 =	vmul.f32 $1.999999960e-02, v1  }
0xa4: {  	v3 =	vmul.f32 $1.999999960e-02, v3  }
0xa5: {  	[tilespmem:s23+$0xE400] =	vst v1;
	v1 =	vmul.f32 $1.999999960e-02, v2  }
0xa6: {  	s22 =	sadd.s32 $0x1, s22;
	[tilespmem:s23+$0xE410] =	vst v3;
	v2 =	vmul.f32 $1.999999960e-02, v4  }
0xa7: {  	p0 =	sne.s32 s22, s6;
	[tilespmem:s23+$0xE420] =	vst v1  }
.Ltmp8:
0xa8: {  	[tilespmem:s23+$0xE430] =	vst v2;
	(pc) =	sbr.rel @p0 .LBB2_1-.Ltmp8, $4  }
0xa9: {  	[hbm4b:s5+s2] =	stream.linear.scatter [tilespmem:s21], [sflag:$0x5], $0x8000, $0x38;
	[tilespmem:$0x16400] =	vst v63  }
0xaa: {  	_ =	swait.ge [sflag:s9], $0x8000  }
0xab: {  	[sflag:s9] =	ssyncset.done $0x0  }
0xac: {  	[sflag:s9] =	ssyncadd.s32 $0xFFFF8000  }
0xad: {  	_ =	sfence.sel $0x180000  }
0xae: {  	[bflag:$0x0] =	sbarrier.arrive $0xFFFF  }
0xaf: {  	p0 =	sne.s32 s1, $0x0;
	_ =	strace $0x90000047  }
0xb0: {  	s0 =	sadd.s32 @!p0 $0x100000, s0;
	[bflag:$0x2] =	sbarrier.arrive $0xFFFF  }
0xb1: {  	[sflag:s0] =	ssyncadd.tile.s32 @!p0 $0x1;
	_ =	shalt  }
.Lfunc_end2:
_tile_overlayer_lowered:
.L_overlay_start_2:
0xb2: {  	(tag) =	ssettag $0x2  }
0xb3: {  	s0 =	rddreg [dreg:$0x0];
	s2 =	stileid.u32  }
0xb4: {  	s1 =	rddreg [dreg:$0x1];
	p0 =	sne.s32 s2, $0x0  }
0xb5: {  	s3 =	rddreg [dreg:$0x2];
	[bflag:$0x3] =	sbarrier.arrive $0xFFFF;
	s2 =	simm.s32 @!p0 $0x1C05  }
0xb6: {  	[timem:s3], [sflag:s2] =	dma.local @!p0 [hbm:s0], s1  }
0xb7: {  	s0 =	simm.s32 @!p0 $0x5  }
0xb8: {  	_ =	swait.ge @!p0 [sflag:s0], s1  }
0xb9: {  	s1 =	ssub.s32 @!p0 $0x0, s1;
	[sflag:s0] =	ssyncset.done @!p0 $0x0  }
0xba: {  	[sflag:s0] =	ssyncadd.s32 @!p0 s1  }
0xbb: {  	[bflag:$0x3] =	sbarrier.arrive $0xFFFF  }
0xbc: {  	_ =	shalt  }

</sc_bundles>
